<compile_context>
chip_gen: v7x
topology: tpu7x:2x2x1
jax: 0.10.2.dev20260603
libtpu: 0.0.44.dev20260713+nightly
codegen_flags: <defaults>
</compile_context>

<pallas_src>
import jax
import jax.numpy as jnp
from jax import lax
from jax.experimental import pallas as pl
from jax.experimental.pallas import tpu as pltpu
from jax.experimental.pallas import tpu_sc as plsc

_K = 1024
_TN = 512
_NC = 2
_NS = 16
_NRG = 8
_NCG = 4
_CW = 64
_CH = 128


def _assign_body(feat_ref, sums8_ref, counts_in_ref, labels_ref, counts_ref,
                 cent_v, counts_acc):
    i = pl.program_id(0)
    nt = pl.num_programs(0)
    ft = feat_ref[...]

    @pl.when(i == 0)
    def _update_centroids():
        s8 = sums8_ref[...]
        sp = (((s8[0] + s8[1]) + (s8[2] + s8[3])) +
              ((s8[4] + s8[5]) + (s8[6] + s8[7])))
        sums = jnp.concatenate([sp[j] for j in range(_NCG)], axis=1)
        counts = counts_in_ref[:, 0:1]
        cent_v[...] = jnp.where(counts > 0.0,
                                sums / jnp.maximum(counts, 1.0), 0.0)
        counts_acc[...] = jnp.zeros_like(counts_acc)

    c = cent_v[...]
    tn, d = ft.shape
    k = c.shape[0]
    rown = jnp.sum(ft * ft, axis=1, keepdims=True)
    coln = lax.dot_general(jnp.ones((1, d), jnp.float32), c * c,
                           (((1,), (1,)), ((), ())),
                           precision=lax.Precision.HIGHEST)
    fc = lax.dot_general(ft, c, (((1,), (1,)), ((), ())),
                         precision=lax.Precision.DEFAULT)
    sq = (rown - 2.0 * fc) + coln
    labels = jnp.argmin(sq, axis=1).astype(jnp.int32)
    labels_ref[...] = labels.reshape(1, 1, tn)

    onehot = (labels[:, None] ==
              lax.broadcasted_iota(jnp.int32, (tn, k), 1)).astype(jnp.float32)
    counts_acc[...] += lax.dot_general(onehot, jnp.ones((tn, 128), jnp.float32),
                                       (((0,), (0,)), ((), ())),
                                       precision=lax.Precision.HIGHEST)

    @pl.when(i == nt - 1)
    def _write_counts():
        counts_ref[...] = counts_acc[...]


def _assign(features, sums8, counts_in):
    n, d = features.shape
    k = sums8.shape[2]
    nt = n // _TN
    labels3, counts = pl.pallas_call(
        _assign_body,
        grid=(nt,),
        in_specs=[
            pl.BlockSpec((_TN, d), lambda i: (i, 0)),
            pl.BlockSpec((_NRG, _NCG, k, _CW), lambda i: (0, 0, 0, 0)),
            pl.BlockSpec((k, 128), lambda i: (0, 0)),
        ],
        out_specs=[
            pl.BlockSpec((1, 1, _TN), lambda i: (i, 0, 0)),
            pl.BlockSpec((k, 128), lambda i: (0, 0)),
        ],
        out_shape=[
            jax.ShapeDtypeStruct((nt, 1, _TN), jnp.int32),
            jax.ShapeDtypeStruct((k, 128), jnp.float32),
        ],
        scratch_shapes=[pltpu.VMEM((k, d), jnp.float32),
                        pltpu.VMEM((k, 128), jnp.float32)],
    )(features, sums8, counts_in)
    return labels3.reshape(n), counts


def _segsum_body(feat_hbm, lab_hbm, zk_hbm, sums_out, labels_v, rows_v, acc_v):
    ci = lax.axis_index("c")
    si = lax.axis_index("s")
    w = ci * _NS + si
    rg = w // _NCG
    cg = w % _NCG
    pair = cg // 2
    half = cg % 2

    pltpu.sync_copy(zk_hbm, acc_v)
    pltpu.sync_copy(lab_hbm.at[pl.ds(rg * 16, 16)], labels_v)

    def chunk_body(ch, carry):
        row0 = rg * 2048 + ch * _CH
        pltpu.sync_copy(
            feat_hbm.at[pl.ds(row0, _CH), pl.ds(pair * 128, 128)], rows_v)

        def grp_body(g, c2):
            lbl_vec = labels_v[ch, pl.ds(g * 16, 16)]
            for r16 in range(16):
                base = lbl_vec[r16] * _CW
                r = g * 16 + r16
                for q in range(_CW // 16):
                    val = rows_v[r, pl.ds(half * _CW + q * 16, 16)]
                    plsc.addupdate(acc_v.at[pl.ds(base + q * 16, 16)], val)
            return c2

        return lax.fori_loop(0, _CH // 16, grp_body, carry)

    lax.fori_loop(0, 2048 // _CH, chunk_body, 0)
    pltpu.sync_copy(acc_v, sums_out.at[rg].at[cg])


def _segsum(features, labels):
    n, d = features.shape
    k = _K
    mesh = plsc.VectorSubcoreMesh(core_axis_name="c", subcore_axis_name="s",
                                  num_cores=_NC, num_subcores=_NS)
    fn = pl.kernel(
        _segsum_body,
        out_type=jax.ShapeDtypeStruct((_NRG, _NCG, k * _CW), jnp.float32),
        mesh=mesh,
        scratch_types=[
            pltpu.VMEM((16, _CH), jnp.int32),
            pltpu.VMEM((_CH, 128), jnp.float32),
            pltpu.VMEM((k * _CW,), jnp.float32),
        ],
    )
    lab2 = labels.reshape(n // _CH, _CH)
    zk = jnp.zeros((k * _CW,), jnp.float32)
    return fn(features, lab2, zk).reshape(_NRG, _NCG, k, _CW)


def _final_body(feat_ref, sums8_ref, counts_in_ref, labels_ref,
                ff_ref, dsum_ref, cent_v, acc_ref):
    i = pl.program_id(0)
    nt = pl.num_programs(0)
    ft = feat_ref[...]

    @pl.when(i == 0)
    def _update_centroids():
        s8 = sums8_ref[...]
        sp = (((s8[0] + s8[1]) + (s8[2] + s8[3])) +
              ((s8[4] + s8[5]) + (s8[6] + s8[7])))
        sums = jnp.concatenate([sp[j] for j in range(_NCG)], axis=1)
        counts = counts_in_ref[:, 0:1]
        cent_v[...] = jnp.where(counts > 0.0,
                                sums / jnp.maximum(counts, 1.0), 0.0)
        acc_ref[0, 0] = 0.0

    c = cent_v[...]
    tn, d = ft.shape
    k = c.shape[0]
    labels = labels_ref[0, 0, :]
    onehot = (labels[:, None] ==
              lax.broadcasted_iota(jnp.int32, (tn, k), 1)).astype(jnp.float32)
    ff = lax.dot_general(onehot, c, (((1,), (0,)), ((), ())),
                         precision=lax.Precision.HIGHEST)
    ff_ref[...] = ff

    diff = ft - ff
    acc_ref[0, 0] += jnp.sum(diff * diff)

    @pl.when(i == nt - 1)
    def _write():
        dsum_ref[0, 0] = acc_ref[0, 0]


def _finalize(features, sums8, counts_in, labels):
    n, d = features.shape
    k = sums8.shape[2]
    nt = n // _TN
    labels3 = labels.reshape(nt, 1, _TN)
    ff, dsum = pl.pallas_call(
        _final_body,
        grid=(nt,),
        in_specs=[
            pl.BlockSpec((_TN, d), lambda i: (i, 0)),
            pl.BlockSpec((_NRG, _NCG, k, _CW), lambda i: (0, 0, 0, 0)),
            pl.BlockSpec((k, 128), lambda i: (0, 0)),
            pl.BlockSpec((1, 1, _TN), lambda i: (i, 0, 0)),
        ],
        out_specs=[
            pl.BlockSpec((_TN, d), lambda i: (i, 0)),
            pl.BlockSpec(memory_space=pltpu.SMEM),
        ],
        out_shape=[
            jax.ShapeDtypeStruct((n, d), jnp.float32),
            jax.ShapeDtypeStruct((1, 1), jnp.float32),
        ],
        scratch_shapes=[pltpu.VMEM((k, d), jnp.float32),
                        pltpu.SMEM((1, 1), jnp.float32)],
    )(features, sums8, counts_in, labels3)
    return ff, dsum[0, 0]


def kernel(features, max_iters):
    n, d = features.shape
    perm = jax.random.permutation(jax.random.key(1), n)[:_K]
    cent0 = features[perm]
    cent0_4 = cent0.reshape(_K, _NCG, _CW).transpose(1, 0, 2)
    sums8_0 = jnp.zeros((_NRG, _NCG, _K, _CW), jnp.float32).at[0].set(cent0_4)
    counts_0 = jnp.ones((_K, 128), jnp.float32)
    labels0 = jnp.zeros((n,), jnp.int32)

    def body(_, carry):
        sums8, counts, _labels = carry
        labels, counts = _assign(features, sums8, counts)
        sums8 = _segsum(features, labels)
        return sums8, counts, labels

    sums8, counts, labels = lax.fori_loop(
        0, max_iters, body, (sums8_0, counts_0, labels0))
    ff, dsum = _finalize(features, sums8, counts, labels)
    differences = dsum / jnp.float32(n * d)
    return ff, labels, differences

# --- scband reference (transcript-rebuilt; emitter-appended) ---
"""Pipeline reference for scband-vector-quantizer-kmeans-42915313221776 (READ-ONLY COPY).

The authoritative reference and input builder live on the scoring server;
editing this copy changes nothing except your own understanding.
"""

import jax, jax.numpy as jnp
import numpy as np

K = 1024


def setup_inputs(seed: int = 0) -> dict:
    key = jax.random.key(seed)
    features = jax.random.normal(key, (16384, 256), dtype=jnp.float32)
    return {"features": features, "max_iters": 10}


def _kmeans_forward(features, max_iters, k):
    N, D = features.shape
    # torch.randperm(N)[:k] centroid init
    perm = jax.random.permutation(jax.random.key(1), N)[:k]
    centroids = features[perm]
    labels = jnp.zeros((N,), dtype=jnp.int32)

    def body(_, carry):
        centroids, labels = carry
        # squared Euclidean distances; argmin identical to argmin of torch.cdist (p=2)
        sq = (
            jnp.sum(features * features, axis=1, keepdims=True)
            - 2.0 * (features @ centroids.T)
            + jnp.sum(centroids * centroids, axis=1)[None, :]
        )
        labels = jnp.argmin(sq, axis=1)
        sums = jax.ops.segment_sum(features, labels, num_segments=k)
        counts = jax.ops.segment_sum(jnp.ones((N,), dtype=features.dtype), labels, num_segments=k)
        # empty clusters -> zero centroid, matching torch branch
        centroids = jnp.where(counts[:, None] > 0, sums / jnp.maximum(counts, 1.0)[:, None], 0.0)
        return centroids, labels

    centroids, labels = jax.lax.fori_loop(0, max_iters, body, (centroids, labels))
    final_features = centroids[labels]
    # straight-through estimator
    final_features_ = features - jax.lax.stop_gradient(features) + final_features
    differences = jnp.mean((features - final_features_) ** 2)
    return final_features_, labels, differences


def reference(features, max_iters):
    return _kmeans_forward(features, max_iters, K)

if __name__ == "__main__":
    import jax
    _d = setup_inputs()
    print(jax.jit(kernel)(*tuple(_d.values())))

</pallas_src>

<mosaic_0001>
#map = affine_map<(d0, d1) -> (0, 0)>
#map1 = affine_map<(d0, d1) -> (0)>
#map2 = affine_map<(d0, d1) -> (0, 0, 0)>
module attributes {stable_mosaic.version = 14 : i64} {
  func.func @_segsum_body(%arg0: i32, %arg1: i32, %arg2: memref<16384x256xf32, #tpu.memory_space<hbm>>, %arg3: memref<128x128xi32, #tpu.memory_space<hbm>>, %arg4: memref<65536xf32, #tpu.memory_space<hbm>>, %arg5: memref<8x4x65536xf32, #tpu.memory_space<hbm>>, %arg6: memref<16x128xi32, #tpu.memory_space<vmem>>, %arg7: memref<128x128xf32, #tpu.memory_space<vmem>>, %arg8: memref<65536xf32, #tpu.memory_space<vmem>>) attributes {dimension_semantics = [#tpu.dimension_semantics<core_parallel>, #tpu.dimension_semantics<subcore_parallel>], iteration_bounds = array<i64: 2, 16>, scalar_prefetch = 0 : i64, scratch_operands = 3 : i64, tpu.core_type = #tpu.core_type<sc_vector_subcore>, window_params = [{transform_indices = #map}, {transform_indices = #map}, {transform_indices = #map1}, {transform_indices = #map2}]} {
    %mul3A = arith.constant 16 : i32
    %mul3A_0 = arith.muli %arg0, %mul3A : i32
    %add3A = arith.addi %mul3A_0, %arg1 : i32
    %jit3A = arith.constant 4 : i32
    %div3A = arith.divsi %add3A, %jit3A : i32
    %sign3A = arith.constant 0 : i32
    %sign3A_1 = arith.cmpi sgt, %add3A, %sign3A : i32
    %sign3A_2 = arith.extui %sign3A_1 : i1 to i32
    %sign3A_3 = arith.constant 0 : i32
    %sign3A_4 = arith.cmpi slt, %add3A, %sign3A_3 : i32
    %sign3A_5 = arith.extui %sign3A_4 : i1 to i32
    %sign3A_6 = arith.subi %sign3A_2, %sign3A_5 : i32
    %sign3A_7 = arith.constant 0 : i32
    %sign3A_8 = arith.cmpi sgt, %jit3A, %sign3A_7 : i32
    %sign3A_9 = arith.extui %sign3A_8 : i1 to i32
    %sign3A_10 = arith.constant 0 : i32
    %sign3A_11 = arith.cmpi slt, %jit3A, %sign3A_10 : i32
    %sign3A_12 = arith.extui %sign3A_11 : i1 to i32
    %sign3A_13 = arith.subi %sign3A_9, %sign3A_12 : i32
    %ne3A = arith.cmpi ne, %sign3A_6, %sign3A_13 : i32
    %rem3A = arith.remsi %add3A, %jit3A : i32
    %ne3A_14 = arith.constant 0 : i32
    %ne3A_15 = arith.cmpi ne, %rem3A, %ne3A_14 : i32
    %and3A = arith.andi %ne3A, %ne3A_15 : i1
    %sub3A = arith.constant 1 : i32
    %sub3A_16 = arith.subi %div3A, %sub3A : i32
    %select_n3A = arith.select %and3A, %sub3A_16, %div3A : i32
    %jit3A_17 = arith.constant 4 : i32
    %eq3A = arith.constant 0 : i32
    %eq3A_18 = arith.cmpi eq, %jit3A_17, %eq3A : i32
    %jit3A_19 = arith.constant 1 : i32
    %select_n3A_20 = arith.select %eq3A_18, %jit3A_19, %jit3A_17 : i32
    %rem3A_21 = arith.remsi %add3A, %select_n3A_20 : i32
    %ne3A_22 = arith.constant 0 : i32
    %ne3A_23 = arith.cmpi ne, %rem3A_21, %ne3A_22 : i32
    %lt3A = arith.constant 0 : i32
    %lt3A_24 = arith.cmpi slt, %rem3A_21, %lt3A : i32
    %lt3A_25 = arith.constant 0 : i32
    %lt3A_26 = arith.cmpi slt, %select_n3A_20, %lt3A_25 : i32
    %ne3A_27 = arith.xori %lt3A_24, %lt3A_26 : i1
    %and3A_28 = arith.andi %ne3A_27, %ne3A_23 : i1
    %add3A_29 = arith.addi %rem3A_21, %select_n3A_20 : i32
    %select_n3A_30 = arith.select %and3A_28, %add3A_29, %rem3A_21 : i32
    %jit3A_31 = arith.constant 2 : i32
    %div3A_32 = arith.divsi %select_n3A_30, %jit3A_31 : i32
    %sign3A_33 = arith.constant 0 : i32
    %sign3A_34 = arith.cmpi sgt, %select_n3A_30, %sign3A_33 : i32
    %sign3A_35 = arith.extui %sign3A_34 : i1 to i32
    %sign3A_36 = arith.constant 0 : i32
    %sign3A_37 = arith.cmpi slt, %select_n3A_30, %sign3A_36 : i32
    %sign3A_38 = arith.extui %sign3A_37 : i1 to i32
    %sign3A_39 = arith.subi %sign3A_35, %sign3A_38 : i32
    %sign3A_40 = arith.constant 0 : i32
    %sign3A_41 = arith.cmpi sgt, %jit3A_31, %sign3A_40 : i32
    %sign3A_42 = arith.extui %sign3A_41 : i1 to i32
    %sign3A_43 = arith.constant 0 : i32
    %sign3A_44 = arith.cmpi slt, %jit3A_31, %sign3A_43 : i32
    %sign3A_45 = arith.extui %sign3A_44 : i1 to i32
    %sign3A_46 = arith.subi %sign3A_42, %sign3A_45 : i32
    %ne3A_47 = arith.cmpi ne, %sign3A_39, %sign3A_46 : i32
    %rem3A_48 = arith.remsi %select_n3A_30, %jit3A_31 : i32
    %ne3A_49 = arith.constant 0 : i32
    %ne3A_50 = arith.cmpi ne, %rem3A_48, %ne3A_49 : i32
    %and3A_51 = arith.andi %ne3A_47, %ne3A_50 : i1
    %sub3A_52 = arith.constant 1 : i32
    %sub3A_53 = arith.subi %div3A_32, %sub3A_52 : i32
    %select_n3A_54 = arith.select %and3A_51, %sub3A_53, %div3A_32 : i32
    %jit3A_55 = arith.constant 2 : i32
    %eq3A_56 = arith.constant 0 : i32
    %eq3A_57 = arith.cmpi eq, %jit3A_55, %eq3A_56 : i32
    %jit3A_58 = arith.constant 1 : i32
    %select_n3A_59 = arith.select %eq3A_57, %jit3A_58, %jit3A_55 : i32
    %rem3A_60 = arith.remsi %select_n3A_30, %select_n3A_59 : i32
    %ne3A_61 = arith.constant 0 : i32
    %ne3A_62 = arith.cmpi ne, %rem3A_60, %ne3A_61 : i32
    %lt3A_63 = arith.constant 0 : i32
    %lt3A_64 = arith.cmpi slt, %rem3A_60, %lt3A_63 : i32
    %lt3A_65 = arith.constant 0 : i32
    %lt3A_66 = arith.cmpi slt, %select_n3A_59, %lt3A_65 : i32
    %ne3A_67 = arith.xori %lt3A_64, %lt3A_66 : i1
    %and3A_68 = arith.andi %ne3A_67, %ne3A_62 : i1
    %add3A_69 = arith.addi %rem3A_60, %select_n3A_59 : i32
    %select_n3A_70 = arith.select %and3A_68, %add3A_69, %rem3A_60 : i32
    "tpu.region"() ({
      %run_scoped3A = tpu.sem_alloc : memref<!tpu.dma_semaphore, #tpu.memory_space<semaphore_mem>>
      tpu.enqueue_dma source(%arg4 : memref<65536xf32, #tpu.memory_space<hbm>>) target(%arg8 : memref<65536xf32, #tpu.memory_space<vmem>>) target_semaphore(%run_scoped3A : memref<!tpu.dma_semaphore, #tpu.memory_space<semaphore_mem>>)
      tpu.wait_dma2 semaphore(%run_scoped3A : memref<!tpu.dma_semaphore, #tpu.memory_space<semaphore_mem>>) src(%arg4 : memref<65536xf32, #tpu.memory_space<hbm>>) dst(%arg8 : memref<65536xf32, #tpu.memory_space<vmem>>)
      tpu.yield
    }) : () -> ()
    %mul3A_71 = arith.constant 16 : i32
    %mul3A_72 = arith.muli %select_n3A, %mul3A_71 : i32
    "tpu.region"() ({
      %run_scoped3A = tpu.sem_alloc : memref<!tpu.dma_semaphore, #tpu.memory_space<semaphore_mem>>
      %dma_start3A = arith.constant 0 : i32
      %dma_start3A_78 = tpu.memref_slice %arg3[%mul3A_72, %dma_start3A] : memref<128x128xi32, #tpu.memory_space<hbm>> -> memref<16x128xi32, #tpu.memory_space<hbm>>
      %dma_start3A_79 = arith.constant 0 : i32
      %dma_start3A_80 = tpu.memref_slice %arg3[%mul3A_72, %dma_start3A_79] : memref<128x128xi32, #tpu.memory_space<hbm>> -> memref<16x128xi32, #tpu.memory_space<hbm>>
      tpu.enqueue_dma source(%dma_start3A_80 : memref<16x128xi32, #tpu.memory_space<hbm>>) target(%arg6 : memref<16x128xi32, #tpu.memory_space<vmem>>) target_semaphore(%run_scoped3A : memref<!tpu.dma_semaphore, #tpu.memory_space<semaphore_mem>>)
      %dma_wait3A = arith.constant 0 : i32
      %dma_wait3A_81 = tpu.memref_slice %arg3[%mul3A_72, %dma_wait3A] : memref<128x128xi32, #tpu.memory_space<hbm>> -> memref<16x128xi32, #tpu.memory_space<hbm>>
      %dma_wait3A_82 = arith.constant 0 : i32
      %dma_wait3A_83 = tpu.memref_slice %arg3[%mul3A_72, %dma_wait3A_82] : memref<128x128xi32, #tpu.memory_space<hbm>> -> memref<16x128xi32, #tpu.memory_space<hbm>>
      tpu.wait_dma2 semaphore(%run_scoped3A : memref<!tpu.dma_semaphore, #tpu.memory_space<semaphore_mem>>) src(%dma_wait3A_83 : memref<16x128xi32, #tpu.memory_space<hbm>>) dst(%arg6 : memref<16x128xi32, #tpu.memory_space<vmem>>)
      tpu.yield
    }) : () -> ()
    %scan3A = arith.constant 0 : i32
    %scan3A_73 = arith.constant 0 : i32
    %scan3A_74 = arith.constant 16 : i32
    %scan3A_75 = arith.addi %scan3A_73, %scan3A_74 : i32
    %scan3A_76 = arith.constant 1 : i32
    scf.for %scan3A_78 = %scan3A_73 to %scan3A_75 step %scan3A_76  : i32 {
      %mul3A_79 = arith.constant 2048 : i32
      %mul3A_80 = arith.muli %select_n3A, %mul3A_79 : i32
      %mul3A_81 = arith.constant 128 : i32
      %mul3A_82 = arith.muli %scan3A_78, %mul3A_81 : i32
      %add3A_83 = arith.addi %mul3A_80, %mul3A_82 : i32
      %mul3A_84 = arith.constant 128 : i32
      %mul3A_85 = arith.muli %select_n3A_54, %mul3A_84 : i32
      "tpu.region"() ({
        %run_scoped3A = tpu.sem_alloc : memref<!tpu.dma_semaphore, #tpu.memory_space<semaphore_mem>>
        %dma_start3A = tpu.memref_slice %arg2[%add3A_83, %mul3A_85] : memref<16384x256xf32, #tpu.memory_space<hbm>> -> memref<128x128xf32, #tpu.memory_space<hbm>>
        %dma_start3A_91 = tpu.memref_slice %arg2[%add3A_83, %mul3A_85] : memref<16384x256xf32, #tpu.memory_space<hbm>> -> memref<128x128xf32, #tpu.memory_space<hbm>>
        tpu.enqueue_dma source(%dma_start3A_91 : memref<128x128xf32, #tpu.memory_space<hbm>>) target(%arg7 : memref<128x128xf32, #tpu.memory_space<vmem>>) target_semaphore(%run_scoped3A : memref<!tpu.dma_semaphore, #tpu.memory_space<semaphore_mem>>)
        %dma_wait3A = tpu.memref_slice %arg2[%add3A_83, %mul3A_85] : memref<16384x256xf32, #tpu.memory_space<hbm>> -> memref<128x128xf32, #tpu.memory_space<hbm>>
        %dma_wait3A_92 = tpu.memref_slice %arg2[%add3A_83, %mul3A_85] : memref<16384x256xf32, #tpu.memory_space<hbm>> -> memref<128x128xf32, #tpu.memory_space<hbm>>
        tpu.wait_dma2 semaphore(%run_scoped3A : memref<!tpu.dma_semaphore, #tpu.memory_space<semaphore_mem>>) src(%dma_wait3A_92 : memref<128x128xf32, #tpu.memory_space<hbm>>) dst(%arg7 : memref<128x128xf32, #tpu.memory_space<vmem>>)
        tpu.yield
      }) : () -> ()
      %scan3A_86 = arith.constant 0 : i32
      %scan3A_87 = arith.constant 8 : i32
      %scan3A_88 = arith.addi %scan3A_86, %scan3A_87 : i32
      %scan3A_89 = arith.constant 1 : i32
      scf.for %scan3A_91 = %scan3A_86 to %scan3A_88 step %scan3A_89  : i32 {
        %mul3A_92 = arith.constant 16 : i32
        %mul3A_93 = arith.muli %scan3A_91, %mul3A_92 : i32
        %get3A = arith.index_cast %scan3A_78 : i32 to index
        %get3A_94 = arith.index_cast %mul3A_93 : i32 to index
        %get3A_95 = tpu.vector_load %arg6[%get3A, %get3A_94] {strides = array<i32>} : memref<16x128xi32, #tpu.memory_space<vmem>>, vector<1x16xi32>,
        %get3A_96 = vector.shape_cast %get3A_95 : vector<1x16xi32> to vector<16xi32>
        %slice3A = vector.extract_strided_slice %get3A_96 {offsets = [0], sizes = [1], strides = [1]} : vector<16xi32> to vector<1xi32>
        %squeeze3A = vector.extract %slice3A[0] : i32 from vector<1xi32>
        %mul3A_97 = arith.constant 64 : i32
        %mul3A_98 = arith.muli %squeeze3A, %mul3A_97 : i32
        %mul3A_99 = arith.constant 16 : i32
        %mul3A_100 = arith.muli %scan3A_91, %mul3A_99 : i32
        %add3A_101 = arith.constant 0 : i32
        %add3A_102 = arith.addi %mul3A_100, %add3A_101 : i32
        %mul3A_103 = arith.constant 64 : i32
        %mul3A_104 = arith.muli %select_n3A_70, %mul3A_103 : i32
        %add3A_105 = arith.constant 0 : i32
        %add3A_106 = arith.addi %mul3A_104, %add3A_105 : i32
        %get3A_107 = arith.index_cast %add3A_102 : i32 to index
        %get3A_108 = arith.index_cast %add3A_106 : i32 to index
        %get3A_109 = tpu.vector_load %arg7[%get3A_107, %get3A_108] {strides = array<i32>} : memref<128x128xf32, #tpu.memory_space<vmem>>, vector<1x16xf32>,
        %get3A_110 = vector.shape_cast %get3A_109 : vector<1x16xf32> to vector<16xf32>
        %add3A_111 = arith.constant 0 : i32
        %add3A_112 = arith.addi %mul3A_98, %add3A_111 : i32
        %swap3A = arith.index_cast %add3A_112 : i32 to index
        %swap3A_113 = tpu.vector_load %arg8[%swap3A] {strides = array<i32>} : memref<65536xf32, #tpu.memory_space<vmem>>, vector<16xf32>,
        %swap3A_114 = vector.shape_cast %swap3A_113 : vector<16xf32> to vector<16xf32>
        %swap3A_115 = vector.shape_cast %get3A_110 : vector<16xf32> to vector<16xf32>
        tpu.vector_store %arg8[%swap3A], %swap3A_115 {add = true, strides = array<i32>} : memref<65536xf32, #tpu.memory_space<vmem>>, vector<16xf32>,
        %mul3A_116 = arith.constant 64 : i32
        %mul3A_117 = arith.muli %select_n3A_70, %mul3A_116 : i32
        %add3A_118 = arith.constant 16 : i32
        %add3A_119 = arith.addi %mul3A_117, %add3A_118 : i32
        %get3A_120 = arith.index_cast %add3A_102 : i32 to index
        %get3A_121 = arith.index_cast %add3A_119 : i32 to index
        %get3A_122 = tpu.vector_load %arg7[%get3A_120, %get3A_121] {strides = array<i32>} : memref<128x128xf32, #tpu.memory_space<vmem>>, vector<1x16xf32>,
        %get3A_123 = vector.shape_cast %get3A_122 : vector<1x16xf32> to vector<16xf32>
        %add3A_124 = arith.constant 16 : i32
        %add3A_125 = arith.addi %mul3A_98, %add3A_124 : i32
        %swap3A_126 = arith.index_cast %add3A_125 : i32 to index
        %swap3A_127 = tpu.vector_load %arg8[%swap3A_126] {strides = array<i32>} : memref<65536xf32, #tpu.memory_space<vmem>>, vector<16xf32>,
        %swap3A_128 = vector.shape_cast %swap3A_127 : vector<16xf32> to vector<16xf32>
        %swap3A_129 = vector.shape_cast %get3A_123 : vector<16xf32> to vector<16xf32>
        tpu.vector_store %arg8[%swap3A_126], %swap3A_129 {add = true, strides = array<i32>} : memref<65536xf32, #tpu.memory_space<vmem>>, vector<16xf32>,
        %mul3A_130 = arith.constant 64 : i32
        %mul3A_131 = arith.muli %select_n3A_70, %mul3A_130 : i32
        %add3A_132 = arith.constant 32 : i32
        %add3A_133 = arith.addi %mul3A_131, %add3A_132 : i32
        %get3A_134 = arith.index_cast %add3A_102 : i32 to index
        %get3A_135 = arith.index_cast %add3A_133 : i32 to index
        %get3A_136 = tpu.vector_load %arg7[%get3A_134, %get3A_135] {strides = array<i32>} : memref<128x128xf32, #tpu.memory_space<vmem>>, vector<1x16xf32>,
        %get3A_137 = vector.shape_cast %get3A_136 : vector<1x16xf32> to vector<16xf32>
        %add3A_138 = arith.constant 32 : i32
        %add3A_139 = arith.addi %mul3A_98, %add3A_138 : i32
        %swap3A_140 = arith.index_cast %add3A_139 : i32 to index
        %swap3A_141 = tpu.vector_load %arg8[%swap3A_140] {strides = array<i32>} : memref<65536xf32, #tpu.memory_space<vmem>>, vector<16xf32>,
        %swap3A_142 = vector.shape_cast %swap3A_141 : vector<16xf32> to vector<16xf32>
        %swap3A_143 = vector.shape_cast %get3A_137 : vector<16xf32> to vector<16xf32>
        tpu.vector_store %arg8[%swap3A_140], %swap3A_143 {add = true, strides = array<i32>} : memref<65536xf32, #tpu.memory_space<vmem>>, vector<16xf32>,
        %mul3A_144 = arith.constant 64 : i32
        %mul3A_145 = arith.muli %select_n3A_70, %mul3A_144 : i32
        %add3A_146 = arith.constant 48 : i32
        %add3A_147 = arith.addi %mul3A_145, %add3A_146 : i32
        %get3A_148 = arith.index_cast %add3A_102 : i32 to index
        %get3A_149 = arith.index_cast %add3A_147 : i32 to index
        %get3A_150 = tpu.vector_load %arg7[%get3A_148, %get3A_149] {strides = array<i32>} : memref<128x128xf32, #tpu.memory_space<vmem>>, vector<1x16xf32>,
        %get3A_151 = vector.shape_cast %get3A_150 : vector<1x16xf32> to vector<16xf32>
        %add3A_152 = arith.constant 48 : i32
        %add3A_153 = arith.addi %mul3A_98, %add3A_152 : i32
        %swap3A_154 = arith.index_cast %add3A_153 : i32 to index
        %swap3A_155 = tpu.vector_load %arg8[%swap3A_154] {strides = array<i32>} : memref<65536xf32, #tpu.memory_space<vmem>>, vector<16xf32>,
        %swap3A_156 = vector.shape_cast %swap3A_155 : vector<16xf32> to vector<16xf32>
        %swap3A_157 = vector.shape_cast %get3A_151 : vector<16xf32> to vector<16xf32>
        tpu.vector_store %arg8[%swap3A_154], %swap3A_157 {add = true, strides = array<i32>} : memref<65536xf32, #tpu.memory_space<vmem>>, vector<16xf32>,
        %slice3A_158 = vector.extract_strided_slice %get3A_96 {offsets = [1], sizes = [1], strides = [1]} : vector<16xi32> to vector<1xi32>
        %squeeze3A_159 = vector.extract %slice3A_158[0] : i32 from vector<1xi32>
        %mul3A_160 = arith.constant 64 : i32
        %mul3A_161 = arith.muli %squeeze3A_159, %mul3A_160 : i32
        %mul3A_162 = arith.constant 16 : i32
        %mul3A_163 = arith.muli %scan3A_91, %mul3A_162 : i32
        %add3A_164 = arith.constant 1 : i32
        %add3A_165 = arith.addi %mul3A_163, %add3A_164 : i32
        %mul3A_166 = arith.constant 64 : i32
        %mul3A_167 = arith.muli %select_n3A_70, %mul3A_166 : i32
        %add3A_168 = arith.constant 0 : i32
        %add3A_169 = arith.addi %mul3A_167, %add3A_168 : i32
        %get3A_170 = arith.index_cast %add3A_165 : i32 to index
        %get3A_171 = arith.index_cast %add3A_169 : i32 to index
        %get3A_172 = tpu.vector_load %arg7[%get3A_170, %get3A_171] {strides = array<i32>} : memref<128x128xf32, #tpu.memory_space<vmem>>, vector<1x16xf32>,
        %get3A_173 = vector.shape_cast %get3A_172 : vector<1x16xf32> to vector<16xf32>
        %add3A_174 = arith.constant 0 : i32
        %add3A_175 = arith.addi %mul3A_161, %add3A_174 : i32
        %swap3A_176 = arith.index_cast %add3A_175 : i32 to index
        %swap3A_177 = tpu.vector_load %arg8[%swap3A_176] {strides = array<i32>} : memref<65536xf32, #tpu.memory_space<vmem>>, vector<16xf32>,
        %swap3A_178 = vector.shape_cast %swap3A_177 : vector<16xf32> to vector<16xf32>
        %swap3A_179 = vector.shape_cast %get3A_173 : vector<16xf32> to vector<16xf32>
        tpu.vector_store %arg8[%swap3A_176], %swap3A_179 {add = true, strides = array<i32>} : memref<65536xf32, #tpu.memory_space<vmem>>, vector<16xf32>,
        %mul3A_180 = arith.constant 64 : i32
        %mul3A_181 = arith.muli %select_n3A_70, %mul3A_180 : i32
        %add3A_182 = arith.constant 16 : i32
        %add3A_183 = arith.addi %mul3A_181, %add3A_182 : i32
        %get3A_184 = arith.index_cast %add3A_165 : i32 to index
        %get3A_185 = arith.index_cast %add3A_183 : i32 to index
        %get3A_186 = tpu.vector_load %arg7[%get3A_184, %get3A_185] {strides = array<i32>} : memref<128x128xf32, #tpu.memory_space<vmem>>, vector<1x16xf32>,
        %get3A_187 = vector.shape_cast %get3A_186 : vector<1x16xf32> to vector<16xf32>
        %add3A_188 = arith.constant 16 : i32
        %add3A_189 = arith.addi %mul3A_161, %add3A_188 : i32
        %swap3A_190 = arith.index_cast %add3A_189 : i32 to index
        %swap3A_191 = tpu.vector_load %arg8[%swap3A_190] {strides = array<i32>} : memref<65536xf32, #tpu.memory_space<vmem>>, vector<16xf32>,
        %swap3A_192 = vector.shape_cast %swap3A_191 : vector<16xf32> to vector<16xf32>
        %swap3A_193 = vector.shape_cast %get3A_187 : vector<16xf32> to vector<16xf32>
        tpu.vector_store %arg8[%swap3A_190], %swap3A_193 {add = true, strides = array<i32>} : memref<65536xf32, #tpu.memory_space<vmem>>, vector<16xf32>,
        %mul3A_194 = arith.constant 64 : i32
        %mul3A_195 = arith.muli %select_n3A_70, %mul3A_194 : i32
        %add3A_196 = arith.constant 32 : i32
        %add3A_197 = arith.addi %mul3A_195, %add3A_196 : i32
        %get3A_198 = arith.index_cast %add3A_165 : i32 to index
        %get3A_199 = arith.index_cast %add3A_197 : i32 to index
        %get3A_200 = tpu.vector_load %arg7[%get3A_198, %get3A_199] {strides = array<i32>} : memref<128x128xf32, #tpu.memory_space<vmem>>, vector<1x16xf32>,
        %get3A_201 = vector.shape_cast %get3A_200 : vector<1x16xf32> to vector<16xf32>
        %add3A_202 = arith.constant 32 : i32
        %add3A_203 = arith.addi %mul3A_161, %add3A_202 : i32
        %swap3A_204 = arith.index_cast %add3A_203 : i32 to index
        %swap3A_205 = tpu.vector_load %arg8[%swap3A_204] {strides = array<i32>} : memref<65536xf32, #tpu.memory_space<vmem>>, vector<16xf32>,
        %swap3A_206 = vector.shape_cast %swap3A_205 : vector<16xf32> to vector<16xf32>
        %swap3A_207 = vector.shape_cast %get3A_201 : vector<16xf32> to vector<16xf32>
        tpu.vector_store %arg8[%swap3A_204], %swap3A_207 {add = true, strides = array<i32>} : memref<65536xf32, #tpu.memory_space<vmem>>, vector<16xf32>,
        %mul3A_208 = arith.constant 64 : i32
        %mul3A_209 = arith.muli %select_n3A_70, %mul3A_208 : i32
        %add3A_210 = arith.constant 48 : i32
        %add3A_211 = arith.addi %mul3A_209, %add3A_210 : i32
        %get3A_212 = arith.index_cast %add3A_165 : i32 to index
        %get3A_213 = arith.index_cast %add3A_211 : i32 to index
        %get3A_214 = tpu.vector_load %arg7[%get3A_212, %get3A_213] {strides = array<i32>} : memref<128x128xf32, #tpu.memory_space<vmem>>, vector<1x16xf32>,
        %get3A_215 = vector.shape_cast %get3A_214 : vector<1x16xf32> to vector<16xf32>
        %add3A_216 = arith.constant 48 : i32
        %add3A_217 = arith.addi %mul3A_161, %add3A_216 : i32
        %swap3A_218 = arith.index_cast %add3A_217 : i32 to index
        %swap3A_219 = tpu.vector_load %arg8[%swap3A_218] {strides = array<i32>} : memref<65536xf32, #tpu.memory_space<vmem>>, vector<16xf32>,
        %swap3A_220 = vector.shape_cast %swap3A_219 : vector<16xf32> to vector<16xf32>
        %swap3A_221 = vector.shape_cast %get3A_215 : vector<16xf32> to vector<16xf32>
        tpu.vector_store %arg8[%swap3A_218], %swap3A_221 {add = true, strides = array<i32>} : memref<65536xf32, #tpu.memory_space<vmem>>, vector<16xf32>,
        %slice3A_222 = vector.extract_strided_slice %get3A_96 {offsets = [2], sizes = [1], strides = [1]} : vector<16xi32> to vector<1xi32>
        %squeeze3A_223 = vector.extract %slice3A_222[0] : i32 from vector<1xi32>
        %mul3A_224 = arith.constant 64 : i32
        %mul3A_225 = arith.muli %squeeze3A_223, %mul3A_224 : i32
        %mul3A_226 = arith.constant 16 : i32
        %mul3A_227 = arith.muli %scan3A_91, %mul3A_226 : i32
        %add3A_228 = arith.constant 2 : i32
        %add3A_229 = arith.addi %mul3A_227, %add3A_228 : i32
        %mul3A_230 = arith.constant 64 : i32
        %mul3A_231 = arith.muli %select_n3A_70, %mul3A_230 : i32
        %add3A_232 = arith.constant 0 : i32
        %add3A_233 = arith.addi %mul3A_231, %add3A_232 : i32
        %get3A_234 = arith.index_cast %add3A_229 : i32 to index
        %get3A_235 = arith.index_cast %add3A_233 : i32 to index
        %get3A_236 = tpu.vector_load %arg7[%get3A_234, %get3A_235] {strides = array<i32>} : memref<128x128xf32, #tpu.memory_space<vmem>>, vector<1x16xf32>,
        %get3A_237 = vector.shape_cast %get3A_236 : vector<1x16xf32> to vector<16xf32>
        %add3A_238 = arith.constant 0 : i32
        %add3A_239 = arith.addi %mul3A_225, %add3A_238 : i32
        %swap3A_240 = arith.index_cast %add3A_239 : i32 to index
        %swap3A_241 = tpu.vector_load %arg8[%swap3A_240] {strides = array<i32>} : memref<65536xf32, #tpu.memory_space<vmem>>, vector<16xf32>,
        %swap3A_242 = vector.shape_cast %swap3A_241 : vector<16xf32> to vector<16xf32>
        %swap3A_243 = vector.shape_cast %get3A_237 : vector<16xf32> to vector<16xf32>
        tpu.vector_store %arg8[%swap3A_240], %swap3A_243 {add = true, strides = array<i32>} : memref<65536xf32, #tpu.memory_space<vmem>>, vector<16xf32>,
        %mul3A_244 = arith.constant 64 : i32
        %mul3A_245 = arith.muli %select_n3A_70, %mul3A_244 : i32
        %add3A_246 = arith.constant 16 : i32
        %add3A_247 = arith.addi %mul3A_245, %add3A_246 : i32
        %get3A_248 = arith.index_cast %add3A_229 : i32 to index
        %get3A_249 = arith.index_cast %add3A_247 : i32 to index
        %get3A_250 = tpu.vector_load %arg7[%get3A_248, %get3A_249] {strides = array<i32>} : memref<128x128xf32, #tpu.memory_space<vmem>>, vector<1x16xf32>,
        %get3A_251 = vector.shape_cast %get3A_250 : vector<1x16xf32> to vector<16xf32>
        %add3A_252 = arith.constant 16 : i32
        %add3A_253 = arith.addi %mul3A_225, %add3A_252 : i32
        %swap3A_254 = arith.index_cast %add3A_253 : i32 to index
        %swap3A_255 = tpu.vector_load %arg8[%swap3A_254] {strides = array<i32>} : memref<65536xf32, #tpu.memory_space<vmem>>, vector<16xf32>,
        %swap3A_256 = vector.shape_cast %swap3A_255 : vector<16xf32> to vector<16xf32>
        %swap3A_257 = vector.shape_cast %get3A_251 : vector<16xf32> to vector<16xf32>
        tpu.vector_store %arg8[%swap3A_254], %swap3A_257 {add = true, strides = array<i32>} : memref<65536xf32, #tpu.memory_space<vmem>>, vector<16xf32>,
        %mul3A_258 = arith.constant 64 : i32
        %mul3A_259 = arith.muli %select_n3A_70, %mul3A_258 : i32
        %add3A_260 = arith.constant 32 : i32
        %add3A_261 = arith.addi %mul3A_259, %add3A_260 : i32
        %get3A_262 = arith.index_cast %add3A_229 : i32 to index
        %get3A_263 = arith.index_cast %add3A_261 : i32 to index
        %get3A_264 = tpu.vector_load %arg7[%get3A_262, %get3A_263] {strides = array<i32>} : memref<128x128xf32, #tpu.memory_space<vmem>>, vector<1x16xf32>,
        %get3A_265 = vector.shape_cast %get3A_264 : vector<1x16xf32> to vector<16xf32>
        %add3A_266 = arith.constant 32 : i32
        %add3A_267 = arith.addi %mul3A_225, %add3A_266 : i32
        %swap3A_268 = arith.index_cast %add3A_267 : i32 to index
        %swap3A_269 = tpu.vector_load %arg8[%swap3A_268] {strides = array<i32>} : memref<65536xf32, #tpu.memory_space<vmem>>, vector<16xf32>,
        %swap3A_270 = vector.shape_cast %swap3A_269 : vector<16xf32> to vector<16xf32>
        %swap3A_271 = vector.shape_cast %get3A_265 : vector<16xf32> to vector<16xf32>
        tpu.vector_store %arg8[%swap3A_268], %swap3A_271 {add = true, strides = array<i32>} : memref<65536xf32, #tpu.memory_space<vmem>>, vector<16xf32>,
        %mul3A_272 = arith.constant 64 : i32
        %mul3A_273 = arith.muli %select_n3A_70, %mul3A_272 : i32
        %add3A_274 = arith.constant 48 : i32
        %add3A_275 = arith.addi %mul3A_273, %add3A_274 : i32
        %get3A_276 = arith.index_cast %add3A_229 : i32 to index
        %get3A_277 = arith.index_cast %add3A_275 : i32 to index
        %get3A_278 = tpu.vector_load %arg7[%get3A_276, %get3A_277] {strides = array<i32>} : memref<128x128xf32, #tpu.memory_space<vmem>>, vector<1x16xf32>,
        %get3A_279 = vector.shape_cast %get3A_278 : vector<1x16xf32> to vector<16xf32>
        %add3A_280 = arith.constant 48 : i32
        %add3A_281 = arith.addi %mul3A_225, %add3A_280 : i32
        %swap3A_282 = arith.index_cast %add3A_281 : i32 to index
        %swap3A_283 = tpu.vector_load %arg8[%swap3A_282] {strides = array<i32>} : memref<65536xf32, #tpu.memory_space<vmem>>, vector<16xf32>,
        %swap3A_284 = vector.shape_cast %swap3A_283 : vector<16xf32> to vector<16xf32>
        %swap3A_285 = vector.shape_cast %get3A_279 : vector<16xf32> to vector<16xf32>
        tpu.vector_store %arg8[%swap3A_282], %swap3A_285 {add = true, strides = array<i32>} : memref<65536xf32, #tpu.memory_space<vmem>>, vector<16xf32>,
        %slice3A_286 = vector.extract_strided_slice %get3A_96 {offsets = [3], sizes = [1], strides = [1]} : vector<16xi32> to vector<1xi32>
        %squeeze3A_287 = vector.extract %slice3A_286[0] : i32 from vector<1xi32>
        %mul3A_288 = arith.constant 64 : i32
        %mul3A_289 = arith.muli %squeeze3A_287, %mul3A_288 : i32
        %mul3A_290 = arith.constant 16 : i32
        %mul3A_291 = arith.muli %scan3A_91, %mul3A_290 : i32
        %add3A_292 = arith.constant 3 : i32
        %add3A_293 = arith.addi %mul3A_291, %add3A_292 : i32
        %mul3A_294 = arith.constant 64 : i32
        %mul3A_295 = arith.muli %select_n3A_70, %mul3A_294 : i32
        %add3A_296 = arith.constant 0 : i32
        %add3A_297 = arith.addi %mul3A_295, %add3A_296 : i32
        %get3A_298 = arith.index_cast %add3A_293 : i32 to index
        %get3A_299 = arith.index_cast %add3A_297 : i32 to index
        %get3A_300 = tpu.vector_load %arg7[%get3A_298, %get3A_299] {strides = array<i32>} : memref<128x128xf32, #tpu.memory_space<vmem>>, vector<1x16xf32>,
        %get3A_301 = vector.shape_cast %get3A_300 : vector<1x16xf32> to vector<16xf32>
        %add3A_302 = arith.constant 0 : i32
        %add3A_303 = arith.addi %mul3A_289, %add3A_302 : i32
        %swap3A_304 = arith.index_cast %add3A_303 : i32 to index
        %swap3A_305 = tpu.vector_load %arg8[%swap3A_304] {strides = array<i32>} : memref<65536xf32, #tpu.memory_space<vmem>>, vector<16xf32>,
        %swap3A_306 = vector.shape_cast %swap3A_305 : vector<16xf32> to vector<16xf32>
        %swap3A_307 = vector.shape_cast %get3A_301 : vector<16xf32> to vector<16xf32>
        tpu.vector_store %arg8[%swap3A_304], %swap3A_307 {add = true, strides = array<i32>} : memref<65536xf32, #tpu.memory_space<vmem>>, vector<16xf32>,
        %mul3A_308 = arith.constant 64 : i32
        %mul3A_309 = arith.muli %select_n3A_70, %mul3A_308 : i32
        %add3A_310 = arith.constant 16 : i32
        %add3A_311 = arith.addi %mul3A_309, %add3A_310 : i32
        %get3A_312 = arith.index_cast %add3A_293 : i32 to index
        %get3A_313 = arith.index_cast %add3A_311 : i32 to index
        %get3A_314 = tpu.vector_load %arg7[%get3A_312, %get3A_313] {strides = array<i32>} : memref<128x128xf32, #tpu.memory_space<vmem>>, vector<1x16xf32>,
        %get3A_315 = vector.shape_cast %get3A_314 : vector<1x16xf32> to vector<16xf32>
        %add3A_316 = arith.constant 16 : i32
        %add3A_317 = arith.addi %mul3A_289, %add3A_316 : i32
        %swap3A_318 = arith.index_cast %add3A_317 : i32 to index
        %swap3A_319 = tpu.vector_load %arg8[%swap3A_318] {strides = array<i32>} : memref<65536xf32, #tpu.memory_space<vmem>>, vector<16xf32>,
        %swap3A_320 = vector.shape_cast %swap3A_319 : vector<16xf32> to vector<16xf32>
        %swap3A_321 = vector.shape_cast %get3A_315 : vector<16xf32> to vector<16xf32>
        tpu.vector_store %arg8[%swap3A_318], %swap3A_321 {add = true, strides = array<i32>} : memref<65536xf32, #tpu.memory_space<vmem>>, vector<16xf32>,
        %mul3A_322 = arith.constant 64 : i32
        %mul3A_323 = arith.muli %select_n3A_70, %mul3A_322 : i32
        %add3A_324 = arith.constant 32 : i32
        %add3A_325 = arith.addi %mul3A_323, %add3A_324 : i32
        %get3A_326 = arith.index_cast %add3A_293 : i32 to index
        %get3A_327 = arith.index_cast %add3A_325 : i32 to index
        %get3A_328 = tpu.vector_load %arg7[%get3A_326, %get3A_327] {strides = array<i32>} : memref<128x128xf32, #tpu.memory_space<vmem>>, vector<1x16xf32>,
        %get3A_329 = vector.shape_cast %get3A_328 : vector<1x16xf32> to vector<16xf32>
        %add3A_330 = arith.constant 32 : i32
        %add3A_331 = arith.addi %mul3A_289, %add3A_330 : i32
        %swap3A_332 = arith.index_cast %add3A_331 : i32 to index
        %swap3A_333 = tpu.vector_load %arg8[%swap3A_332] {strides = array<i32>} : memref<65536xf32, #tpu.memory_space<vmem>>, vector<16xf32>,
        %swap3A_334 = vector.shape_cast %swap3A_333 : vector<16xf32> to vector<16xf32>
        %swap3A_335 = vector.shape_cast %get3A_329 : vector<16xf32> to vector<16xf32>
        tpu.vector_store %arg8[%swap3A_332], %swap3A_335 {add = true, strides = array<i32>} : memref<65536xf32, #tpu.memory_space<vmem>>, vector<16xf32>,
        %mul3A_336 = arith.constant 64 : i32
        %mul3A_337 = arith.muli %select_n3A_70, %mul3A_336 : i32
        %add3A_338 = arith.constant 48 : i32
        %add3A_339 = arith.addi %mul3A_337, %add3A_338 : i32
        %get3A_340 = arith.index_cast %add3A_293 : i32 to index
        %get3A_341 = arith.index_cast %add3A_339 : i32 to index
        %get3A_342 = tpu.vector_load %arg7[%get3A_340, %get3A_341] {strides = array<i32>} : memref<128x128xf32, #tpu.memory_space<vmem>>, vector<1x16xf32>,
        %get3A_343 = vector.shape_cast %get3A_342 : vector<1x16xf32> to vector<16xf32>
        %add3A_344 = arith.constant 48 : i32
        %add3A_345 = arith.addi %mul3A_289, %add3A_344 : i32
        %swap3A_346 = arith.index_cast %add3A_345 : i32 to index
        %swap3A_347 = tpu.vector_load %arg8[%swap3A_346] {strides = array<i32>} : memref<65536xf32, #tpu.memory_space<vmem>>, vector<16xf32>,
        %swap3A_348 = vector.shape_cast %swap3A_347 : vector<16xf32> to vector<16xf32>
        %swap3A_349 = vector.shape_cast %get3A_343 : vector<16xf32> to vector<16xf32>
        tpu.vector_store %arg8[%swap3A_346], %swap3A_349 {add = true, strides = array<i32>} : memref<65536xf32, #tpu.memory_space<vmem>>, vector<16xf32>,
        %slice3A_350 = vector.extract_strided_slice %get3A_96 {offsets = [4], sizes = [1], strides = [1]} : vector<16xi32> to vector<1xi32>
        %squeeze3A_351 = vector.extract %slice3A_350[0] : i32 from vector<1xi32>
        %mul3A_352 = arith.constant 64 : i32
        %mul3A_353 = arith.muli %squeeze3A_351, %mul3A_352 : i32
        %mul3A_354 = arith.constant 16 : i32
        %mul3A_355 = arith.muli %scan3A_91, %mul3A_354 : i32
        %add3A_356 = arith.constant 4 : i32
        %add3A_357 = arith.addi %mul3A_355, %add3A_356 : i32
        %mul3A_358 = arith.constant 64 : i32
        %mul3A_359 = arith.muli %select_n3A_70, %mul3A_358 : i32
        %add3A_360 = arith.constant 0 : i32
        %add3A_361 = arith.addi %mul3A_359, %add3A_360 : i32
        %get3A_362 = arith.index_cast %add3A_357 : i32 to index
        %get3A_363 = arith.index_cast %add3A_361 : i32 to index
        %get3A_364 = tpu.vector_load %arg7[%get3A_362, %get3A_363] {strides = array<i32>} : memref<128x128xf32, #tpu.memory_space<vmem>>, vector<1x16xf32>,
        %get3A_365 = vector.shape_cast %get3A_364 : vector<1x16xf32> to vector<16xf32>
        %add3A_366 = arith.constant 0 : i32
        %add3A_367 = arith.addi %mul3A_353, %add3A_366 : i32
        %swap3A_368 = arith.index_cast %add3A_367 : i32 to index
        %swap3A_369 = tpu.vector_load %arg8[%swap3A_368] {strides = array<i32>} : memref<65536xf32, #tpu.memory_space<vmem>>, vector<16xf32>,
        %swap3A_370 = vector.shape_cast %swap3A_369 : vector<16xf32> to vector<16xf32>
        %swap3A_371 = vector.shape_cast %get3A_365 : vector<16xf32> to vector<16xf32>
        tpu.vector_store %arg8[%swap3A_368], %swap3A_371 {add = true, strides = array<i32>} : memref<65536xf32, #tpu.memory_space<vmem>>, vector<16xf32>,
        %mul3A_372 = arith.constant 64 : i32
        %mul3A_373 = arith.muli %select_n3A_70, %mul3A_372 : i32
        %add3A_374 = arith.constant 16 : i32
        %add3A_375 = arith.addi %mul3A_373, %add3A_374 : i32
        %get3A_376 = arith.index_cast %add3A_357 : i32 to index
        %get3A_377 = arith.index_cast %add3A_375 : i32 to index
        %get3A_378 = tpu.vector_load %arg7[%get3A_376, %get3A_377] {strides = array<i32>} : memref<128x128xf32, #tpu.memory_space<vmem>>, vector<1x16xf32>,
        %get3A_379 = vector.shape_cast %get3A_378 : vector<1x16xf32> to vector<16xf32>
        %add3A_380 = arith.constant 16 : i32
        %add3A_381 = arith.addi %mul3A_353, %add3A_380 : i32
        %swap3A_382 = arith.index_cast %add3A_381 : i32 to index
        %swap3A_383 = tpu.vector_load %arg8[%swap3A_382] {strides = array<i32>} : memref<65536xf32, #tpu.memory_space<vmem>>, vector<16xf32>,
        %swap3A_384 = vector.shape_cast %swap3A_383 : vector<16xf32> to vector<16xf32>
        %swap3A_385 = vector.shape_cast %get3A_379 : vector<16xf32> to vector<16xf32>
        tpu.vector_store %arg8[%swap3A_382], %swap3A_385 {add = true, strides = array<i32>} : memref<65536xf32, #tpu.memory_space<vmem>>, vector<16xf32>,
        %mul3A_386 = arith.constant 64 : i32
        %mul3A_387 = arith.muli %select_n3A_70, %mul3A_386 : i32
        %add3A_388 = arith.constant 32 : i32
        %add3A_389 = arith.addi %mul3A_387, %add3A_388 : i32
        %get3A_390 = arith.index_cast %add3A_357 : i32 to index
        %get3A_391 = arith.index_cast %add3A_389 : i32 to index
        %get3A_392 = tpu.vector_load %arg7[%get3A_390, %get3A_391] {strides = array<i32>} : memref<128x128xf32, #tpu.memory_space<vmem>>, vector<1x16xf32>,
        %get3A_393 = vector.shape_cast %get3A_392 : vector<1x16xf32> to vector<16xf32>
        %add3A_394 = arith.constant 32 : i32
        %add3A_395 = arith.addi %mul3A_353, %add3A_394 : i32
        %swap3A_396 = arith.index_cast %add3A_395 : i32 to index
        %swap3A_397 = tpu.vector_load %arg8[%swap3A_396] {strides = array<i32>} : memref<65536xf32, #tpu.memory_space<vmem>>, vector<16xf32>,
        %swap3A_398 = vector.shape_cast %swap3A_397 : vector<16xf32> to vector<16xf32>
        %swap3A_399 = vector.shape_cast %get3A_393 : vector<16xf32> to vector<16xf32>
        tpu.vector_store %arg8[%swap3A_396], %swap3A_399 {add = true, strides = array<i32>} : memref<65536xf32, #tpu.memory_space<vmem>>, vector<16xf32>,
        %mul3A_400 = arith.constant 64 : i32
        %mul3A_401 = arith.muli %select_n3A_70, %mul3A_400 : i32
        %add3A_402 = arith.constant 48 : i32
        %add3A_403 = arith.addi %mul3A_401, %add3A_402 : i32
        %get3A_404 = arith.index_cast %add3A_357 : i32 to index
        %get3A_405 = arith.index_cast %add3A_403 : i32 to index
        %get3A_406 = tpu.vector_load %arg7[%get3A_404, %get3A_405] {strides = array<i32>} : memref<128x128xf32, #tpu.memory_space<vmem>>, vector<1x16xf32>,
        %get3A_407 = vector.shape_cast %get3A_406 : vector<1x16xf32> to vector<16xf32>
        %add3A_408 = arith.constant 48 : i32
        %add3A_409 = arith.addi %mul3A_353, %add3A_408 : i32
        %swap3A_410 = arith.index_cast %add3A_409 : i32 to index
        %swap3A_411 = tpu.vector_load %arg8[%swap3A_410] {strides = array<i32>} : memref<65536xf32, #tpu.memory_space<vmem>>, vector<16xf32>,
        %swap3A_412 = vector.shape_cast %swap3A_411 : vector<16xf32> to vector<16xf32>
        %swap3A_413 = vector.shape_cast %get3A_407 : vector<16xf32> to vector<16xf32>
        tpu.vector_store %arg8[%swap3A_410], %swap3A_413 {add = true, strides = array<i32>} : memref<65536xf32, #tpu.memory_space<vmem>>, vector<16xf32>,
        %slice3A_414 = vector.extract_strided_slice %get3A_96 {offsets = [5], sizes = [1], strides = [1]} : vector<16xi32> to vector<1xi32>
        %squeeze3A_415 = vector.extract %slice3A_414[0] : i32 from vector<1xi32>
        %mul3A_416 = arith.constant 64 : i32
        %mul3A_417 = arith.muli %squeeze3A_415, %mul3A_416 : i32
        %mul3A_418 = arith.constant 16 : i32
        %mul3A_419 = arith.muli %scan3A_91, %mul3A_418 : i32
        %add3A_420 = arith.constant 5 : i32
        %add3A_421 = arith.addi %mul3A_419, %add3A_420 : i32
        %mul3A_422 = arith.constant 64 : i32
        %mul3A_423 = arith.muli %select_n3A_70, %mul3A_422 : i32
        %add3A_424 = arith.constant 0 : i32
        %add3A_425 = arith.addi %mul3A_423, %add3A_424 : i32
        %get3A_426 = arith.index_cast %add3A_421 : i32 to index
        %get3A_427 = arith.index_cast %add3A_425 : i32 to index
        %get3A_428 = tpu.vector_load %arg7[%get3A_426, %get3A_427] {strides = array<i32>} : memref<128x128xf32, #tpu.memory_space<vmem>>, vector<1x16xf32>,
        %get3A_429 = vector.shape_cast %get3A_428 : vector<1x16xf32> to vector<16xf32>
        %add3A_430 = arith.constant 0 : i32
        %add3A_431 = arith.addi %mul3A_417, %add3A_430 : i32
        %swap3A_432 = arith.index_cast %add3A_431 : i32 to index
        %swap3A_433 = tpu.vector_load %arg8[%swap3A_432] {strides = array<i32>} : memref<65536xf32, #tpu.memory_space<vmem>>, vector<16xf32>,
        %swap3A_434 = vector.shape_cast %swap3A_433 : vector<16xf32> to vector<16xf32>
        %swap3A_435 = vector.shape_cast %get3A_429 : vector<16xf32> to vector<16xf32>
        tpu.vector_store %arg8[%swap3A_432], %swap3A_435 {add = true, strides = array<i32>} : memref<65536xf32, #tpu.memory_space<vmem>>, vector<16xf32>,
        %mul3A_436 = arith.constant 64 : i32
        %mul3A_437 = arith.muli %select_n3A_70, %mul3A_436 : i32
        %add3A_438 = arith.constant 16 : i32
        %add3A_439 = arith.addi %mul3A_437, %add3A_438 : i32
        %get3A_440 = arith.index_cast %add3A_421 : i32 to index
        %get3A_441 = arith.index_cast %add3A_439 : i32 to index
        %get3A_442 = tpu.vector_load %arg7[%get3A_440, %get3A_441] {strides = array<i32>} : memref<128x128xf32, #tpu.memory_space<vmem>>, vector<1x16xf32>,
        %get3A_443 = vector.shape_cast %get3A_442 : vector<1x16xf32> to vector<16xf32>
        %add3A_444 = arith.constant 16 : i32
        %add3A_445 = arith.addi %mul3A_417, %add3A_444 : i32
        %swap3A_446 = arith.index_cast %add3A_445 : i32 to index
        %swap3A_447 = tpu.vector_load %arg8[%swap3A_446] {strides = array<i32>} : memref<65536xf32, #tpu.memory_space<vmem>>, vector<16xf32>,
        %swap3A_448 = vector.shape_cast %swap3A_447 : vector<16xf32> to vector<16xf32>
        %swap3A_449 = vector.shape_cast %get3A_443 : vector<16xf32> to vector<16xf32>
        tpu.vector_store %arg8[%swap3A_446], %swap3A_449 {add = true, strides = array<i32>} : memref<65536xf32, #tpu.memory_space<vmem>>, vector<16xf32>,
        %mul3A_450 = arith.constant 64 : i32
        %mul3A_451 = arith.muli %select_n3A_70, %mul3A_450 : i32
        %add3A_452 = arith.constant 32 : i32
        %add3A_453 = arith.addi %mul3A_451, %add3A_452 : i32
        %get3A_454 = arith.index_cast %add3A_421 : i32 to index
        %get3A_455 = arith.index_cast %add3A_453 : i32 to index
        %get3A_456 = tpu.vector_load %arg7[%get3A_454, %get3A_455] {strides = array<i32>} : memref<128x128xf32, #tpu.memory_space<vmem>>, vector<1x16xf32>,
        %get3A_457 = vector.shape_cast %get3A_456 : vector<1x16xf32> to vector<16xf32>
        %add3A_458 = arith.constant 32 : i32
        %add3A_459 = arith.addi %mul3A_417, %add3A_458 : i32
        %swap3A_460 = arith.index_cast %add3A_459 : i32 to index
        %swap3A_461 = tpu.vector_load %arg8[%swap3A_460] {strides = array<i32>} : memref<65536xf32, #tpu.memory_space<vmem>>, vector<16xf32>,
        %swap3A_462 = vector.shape_cast %swap3A_461 : vector<16xf32> to vector<16xf32>
        %swap3A_463 = vector.shape_cast %get3A_457 : vector<16xf32> to vector<16xf32>
        tpu.vector_store %arg8[%swap3A_460], %swap3A_463 {add = true, strides = array<i32>} : memref<65536xf32, #tpu.memory_space<vmem>>, vector<16xf32>,
        %mul3A_464 = arith.constant 64 : i32
        %mul3A_465 = arith.muli %select_n3A_70, %mul3A_464 : i32
        %add3A_466 = arith.constant 48 : i32
        %add3A_467 = arith.addi %mul3A_465, %add3A_466 : i32
        %get3A_468 = arith.index_cast %add3A_421 : i32 to index
        %get3A_469 = arith.index_cast %add3A_467 : i32 to index
        %get3A_470 = tpu.vector_load %arg7[%get3A_468, %get3A_469] {strides = array<i32>} : memref<128x128xf32, #tpu.memory_space<vmem>>, vector<1x16xf32>,
        %get3A_471 = vector.shape_cast %get3A_470 : vector<1x16xf32> to vector<16xf32>
        %add3A_472 = arith.constant 48 : i32
        %add3A_473 = arith.addi %mul3A_417, %add3A_472 : i32
        %swap3A_474 = arith.index_cast %add3A_473 : i32 to index
        %swap3A_475 = tpu.vector_load %arg8[%swap3A_474] {strides = array<i32>} : memref<65536xf32, #tpu.memory_space<vmem>>, vector<16xf32>,
        %swap3A_476 = vector.shape_cast %swap3A_475 : vector<16xf32> to vector<16xf32>
        %swap3A_477 = vector.shape_cast %get3A_471 : vector<16xf32> to vector<16xf32>
        tpu.vector_store %arg8[%swap3A_474], %swap3A_477 {add = true, strides = array<i32>} : memref<65536xf32, #tpu.memory_space<vmem>>, vector<16xf32>,
        %slice3A_478 = vector.extract_strided_slice %get3A_96 {offsets = [6], sizes = [1], strides = [1]} : vector<16xi32> to vector<1xi32>
        %squeeze3A_479 = vector.extract %slice3A_478[0] : i32 from vector<1xi32>
        %mul3A_480 = arith.constant 64 : i32
        %mul3A_481 = arith.muli %squeeze3A_479, %mul3A_480 : i32
        %mul3A_482 = arith.constant 16 : i32
        %mul3A_483 = arith.muli %scan3A_91, %mul3A_482 : i32
        %add3A_484 = arith.constant 6 : i32
        %add3A_485 = arith.addi %mul3A_483, %add3A_484 : i32
        %mul3A_486 = arith.constant 64 : i32
        %mul3A_487 = arith.muli %select_n3A_70, %mul3A_486 : i32
        %add3A_488 = arith.constant 0 : i32
        %add3A_489 = arith.addi %mul3A_487, %add3A_488 : i32
        %get3A_490 = arith.index_cast %add3A_485 : i32 to index
        %get3A_491 = arith.index_cast %add3A_489 : i32 to index
        %get3A_492 = tpu.vector_load %arg7[%get3A_490, %get3A_491] {strides = array<i32>} : memref<128x128xf32, #tpu.memory_space<vmem>>, vector<1x16xf32>,
        %get3A_493 = vector.shape_cast %get3A_492 : vector<1x16xf32> to vector<16xf32>
        %add3A_494 = arith.constant 0 : i32
        %add3A_495 = arith.addi %mul3A_481, %add3A_494 : i32
        %swap3A_496 = arith.index_cast %add3A_495 : i32 to index
        %swap3A_497 = tpu.vector_load %arg8[%swap3A_496] {strides = array<i32>} : memref<65536xf32, #tpu.memory_space<vmem>>, vector<16xf32>,
        %swap3A_498 = vector.shape_cast %swap3A_497 : vector<16xf32> to vector<16xf32>
        %swap3A_499 = vector.shape_cast %get3A_493 : vector<16xf32> to vector<16xf32>
        tpu.vector_store %arg8[%swap3A_496], %swap3A_499 {add = true, strides = array<i32>} : memref<65536xf32, #tpu.memory_space<vmem>>, vector<16xf32>,
        %mul3A_500 = arith.constant 64 : i32
        %mul3A_501 = arith.muli %select_n3A_70, %mul3A_500 : i32
        %add3A_502 = arith.constant 16 : i32
        %add3A_503 = arith.addi %mul3A_501, %add3A_502 : i32
        %get3A_504 = arith.index_cast %add3A_485 : i32 to index
        %get3A_505 = arith.index_cast %add3A_503 : i32 to index
        %get3A_506 = tpu.vector_load %arg7[%get3A_504, %get3A_505] {strides = array<i32>} : memref<128x128xf32, #tpu.memory_space<vmem>>, vector<1x16xf32>,
        %get3A_507 = vector.shape_cast %get3A_506 : vector<1x16xf32> to vector<16xf32>
        %add3A_508 = arith.constant 16 : i32
        %add3A_509 = arith.addi %mul3A_481, %add3A_508 : i32
        %swap3A_510 = arith.index_cast %add3A_509 : i32 to index
        %swap3A_511 = tpu.vector_load %arg8[%swap3A_510] {strides = array<i32>} : memref<65536xf32, #tpu.memory_space<vmem>>, vector<16xf32>,
        %swap3A_512 = vector.shape_cast %swap3A_511 : vector<16xf32> to vector<16xf32>
        %swap3A_513 = vector.shape_cast %get3A_507 : vector<16xf32> to vector<16xf32>
        tpu.vector_store %arg8[%swap3A_510], %swap3A_513 {add = true, strides = array<i32>} : memref<65536xf32, #tpu.memory_space<vmem>>, vector<16xf32>,
        %mul3A_514 = arith.constant 64 : i32
        %mul3A_515 = arith.muli %select_n3A_70, %mul3A_514 : i32
        %add3A_516 = arith.constant 32 : i32
        %add3A_517 = arith.addi %mul3A_515, %add3A_516 : i32
        %get3A_518 = arith.index_cast %add3A_485 : i32 to index
        %get3A_519 = arith.index_cast %add3A_517 : i32 to index
        %get3A_520 = tpu.vector_load %arg7[%get3A_518, %get3A_519] {strides = array<i32>} : memref<128x128xf32, #tpu.memory_space<vmem>>, vector<1x16xf32>,
        %get3A_521 = vector.shape_cast %get3A_520 : vector<1x16xf32> to vector<16xf32>
        %add3A_522 = arith.constant 32 : i32
        %add3A_523 = arith.addi %mul3A_481, %add3A_522 : i32
        %swap3A_524 = arith.index_cast %add3A_523 : i32 to index
        %swap3A_525 = tpu.vector_load %arg8[%swap3A_524] {strides = array<i32>} : memref<65536xf32, #tpu.memory_space<vmem>>, vector<16xf32>,
        %swap3A_526 = vector.shape_cast %swap3A_525 : vector<16xf32> to vector<16xf32>
        %swap3A_527 = vector.shape_cast %get3A_521 : vector<16xf32> to vector<16xf32>
        tpu.vector_store %arg8[%swap3A_524], %swap3A_527 {add = true, strides = array<i32>} : memref<65536xf32, #tpu.memory_space<vmem>>, vector<16xf32>,
        %mul3A_528 = arith.constant 64 : i32
        %mul3A_529 = arith.muli %select_n3A_70, %mul3A_528 : i32
        %add3A_530 = arith.constant 48 : i32
        %add3A_531 = arith.addi %mul3A_529, %add3A_530 : i32
        %get3A_532 = arith.index_cast %add3A_485 : i32 to index
        %get3A_533 = arith.index_cast %add3A_531 : i32 to index
        %get3A_534 = tpu.vector_load %arg7[%get3A_532, %get3A_533] {strides = array<i32>} : memref<128x128xf32, #tpu.memory_space<vmem>>, vector<1x16xf32>,
        %get3A_535 = vector.shape_cast %get3A_534 : vector<1x16xf32> to vector<16xf32>
        %add3A_536 = arith.constant 48 : i32
        %add3A_537 = arith.addi %mul3A_481, %add3A_536 : i32
        %swap3A_538 = arith.index_cast %add3A_537 : i32 to index
        %swap3A_539 = tpu.vector_load %arg8[%swap3A_538] {strides = array<i32>} : memref<65536xf32, #tpu.memory_space<vmem>>, vector<16xf32>,
        %swap3A_540 = vector.shape_cast %swap3A_539 : vector<16xf32> to vector<16xf32>
        %swap3A_541 = vector.shape_cast %get3A_535 : vector<16xf32> to vector<16xf32>
        tpu.vector_store %arg8[%swap3A_538], %swap3A_541 {add = true, strides = array<i32>} : memref<65536xf32, #tpu.memory_space<vmem>>, vector<16xf32>,
        %slice3A_542 = vector.extract_strided_slice %get3A_96 {offsets = [7], sizes = [1], strides = [1]} : vector<16xi32> to vector<1xi32>
        %squeeze3A_543 = vector.extract %slice3A_542[0] : i32 from vector<1xi32>
        %mul3A_544 = arith.constant 64 : i32
        %mul3A_545 = arith.muli %squeeze3A_543, %mul3A_544 : i32
        %mul3A_546 = arith.constant 16 : i32
        %mul3A_547 = arith.muli %scan3A_91, %mul3A_546 : i32
        %add3A_548 = arith.constant 7 : i32
        %add3A_549 = arith.addi %mul3A_547, %add3A_548 : i32
        %mul3A_550 = arith.constant 64 : i32
        %mul3A_551 = arith.muli %select_n3A_70, %mul3A_550 : i32
        %add3A_552 = arith.constant 0 : i32
        %add3A_553 = arith.addi %mul3A_551, %add3A_552 : i32
        %get3A_554 = arith.index_cast %add3A_549 : i32 to index
        %get3A_555 = arith.index_cast %add3A_553 : i32 to index
        %get3A_556 = tpu.vector_load %arg7[%get3A_554, %get3A_555] {strides = array<i32>} : memref<128x128xf32, #tpu.memory_space<vmem>>, vector<1x16xf32>,
        %get3A_557 = vector.shape_cast %get3A_556 : vector<1x16xf32> to vector<16xf32>
        %add3A_558 = arith.constant 0 : i32
        %add3A_559 = arith.addi %mul3A_545, %add3A_558 : i32
        %swap3A_560 = arith.index_cast %add3A_559 : i32 to index
        %swap3A_561 = tpu.vector_load %arg8[%swap3A_560] {strides = array<i32>} : memref<65536xf32, #tpu.memory_space<vmem>>, vector<16xf32>,
        %swap3A_562 = vector.shape_cast %swap3A_561 : vector<16xf32> to vector<16xf32>
        %swap3A_563 = vector.shape_cast %get3A_557 : vector<16xf32> to vector<16xf32>
        tpu.vector_store %arg8[%swap3A_560], %swap3A_563 {add = true, strides = array<i32>} : memref<65536xf32, #tpu.memory_space<vmem>>, vector<16xf32>,
        %mul3A_564 = arith.constant 64 : i32
        %mul3A_565 = arith.muli %select_n3A_70, %mul3A_564 : i32
        %add3A_566 = arith.constant 16 : i32
        %add3A_567 = arith.addi %mul3A_565, %add3A_566 : i32
        %get3A_568 = arith.index_cast %add3A_549 : i32 to index
        %get3A_569 = arith.index_cast %add3A_567 : i32 to index
        %get3A_570 = tpu.vector_load %arg7[%get3A_568, %get3A_569] {strides = array<i32>} : memref<128x128xf32, #tpu.memory_space<vmem>>, vector<1x16xf32>,
        %get3A_571 = vector.shape_cast %get3A_570 : vector<1x16xf32> to vector<16xf32>
        %add3A_572 = arith.constant 16 : i32
        %add3A_573 = arith.addi %mul3A_545, %add3A_572 : i32
        %swap3A_574 = arith.index_cast %add3A_573 : i32 to index
        %swap3A_575 = tpu.vector_load %arg8[%swap3A_574] {strides = array<i32>} : memref<65536xf32, #tpu.memory_space<vmem>>, vector<16xf32>,
        %swap3A_576 = vector.shape_cast %swap3A_575 : vector<16xf32> to vector<16xf32>
        %swap3A_577 = vector.shape_cast %get3A_571 : vector<16xf32> to vector<16xf32>
        tpu.vector_store %arg8[%swap3A_574], %swap3A_577 {add = true, strides = array<i32>} : memref<65536xf32, #tpu.memory_space<vmem>>, vector<16xf32>,
        %mul3A_578 = arith.constant 64 : i32
        %mul3A_579 = arith.muli %select_n3A_70, %mul3A_578 : i32
        %add3A_580 = arith.constant 32 : i32
        %add3A_581 = arith.addi %mul3A_579, %add3A_580 : i32
        %get3A_582 = arith.index_cast %add3A_549 : i32 to index
        %get3A_583 = arith.index_cast %add3A_581 : i32 to index
        %get3A_584 = tpu.vector_load %arg7[%get3A_582, %get3A_583] {strides = array<i32>} : memref<128x128xf32, #tpu.memory_space<vmem>>, vector<1x16xf32>,
        %get3A_585 = vector.shape_cast %get3A_584 : vector<1x16xf32> to vector<16xf32>
        %add3A_586 = arith.constant 32 : i32
        %add3A_587 = arith.addi %mul3A_545, %add3A_586 : i32
        %swap3A_588 = arith.index_cast %add3A_587 : i32 to index
        %swap3A_589 = tpu.vector_load %arg8[%swap3A_588] {strides = array<i32>} : memref<65536xf32, #tpu.memory_space<vmem>>, vector<16xf32>,
        %swap3A_590 = vector.shape_cast %swap3A_589 : vector<16xf32> to vector<16xf32>
        %swap3A_591 = vector.shape_cast %get3A_585 : vector<16xf32> to vector<16xf32>
        tpu.vector_store %arg8[%swap3A_588], %swap3A_591 {add = true, strides = array<i32>} : memref<65536xf32, #tpu.memory_space<vmem>>, vector<16xf32>,
        %mul3A_592 = arith.constant 64 : i32
        %mul3A_593 = arith.muli %select_n3A_70, %mul3A_592 : i32
        %add3A_594 = arith.constant 48 : i32
        %add3A_595 = arith.addi %mul3A_593, %add3A_594 : i32
        %get3A_596 = arith.index_cast %add3A_549 : i32 to index
        %get3A_597 = arith.index_cast %add3A_595 : i32 to index
        %get3A_598 = tpu.vector_load %arg7[%get3A_596, %get3A_597] {strides = array<i32>} : memref<128x128xf32, #tpu.memory_space<vmem>>, vector<1x16xf32>,
        %get3A_599 = vector.shape_cast %get3A_598 : vector<1x16xf32> to vector<16xf32>
        %add3A_600 = arith.constant 48 : i32
        %add3A_601 = arith.addi %mul3A_545, %add3A_600 : i32
        %swap3A_602 = arith.index_cast %add3A_601 : i32 to index
        %swap3A_603 = tpu.vector_load %arg8[%swap3A_602] {strides = array<i32>} : memref<65536xf32, #tpu.memory_space<vmem>>, vector<16xf32>,
        %swap3A_604 = vector.shape_cast %swap3A_603 : vector<16xf32> to vector<16xf32>
        %swap3A_605 = vector.shape_cast %get3A_599 : vector<16xf32> to vector<16xf32>
        tpu.vector_store %arg8[%swap3A_602], %swap3A_605 {add = true, strides = array<i32>} : memref<65536xf32, #tpu.memory_space<vmem>>, vector<16xf32>,
        %slice3A_606 = vector.extract_strided_slice %get3A_96 {offsets = [8], sizes = [1], strides = [1]} : vector<16xi32> to vector<1xi32>
        %squeeze3A_607 = vector.extract %slice3A_606[0] : i32 from vector<1xi32>
        %mul3A_608 = arith.constant 64 : i32
        %mul3A_609 = arith.muli %squeeze3A_607, %mul3A_608 : i32
        %mul3A_610 = arith.constant 16 : i32
        %mul3A_611 = arith.muli %scan3A_91, %mul3A_610 : i32
        %add3A_612 = arith.constant 8 : i32
        %add3A_613 = arith.addi %mul3A_611, %add3A_612 : i32
        %mul3A_614 = arith.constant 64 : i32
        %mul3A_615 = arith.muli %select_n3A_70, %mul3A_614 : i32
        %add3A_616 = arith.constant 0 : i32
        %add3A_617 = arith.addi %mul3A_615, %add3A_616 : i32
        %get3A_618 = arith.index_cast %add3A_613 : i32 to index
        %get3A_619 = arith.index_cast %add3A_617 : i32 to index
        %get3A_620 = tpu.vector_load %arg7[%get3A_618, %get3A_619] {strides = array<i32>} : memref<128x128xf32, #tpu.memory_space<vmem>>, vector<1x16xf32>,
        %get3A_621 = vector.shape_cast %get3A_620 : vector<1x16xf32> to vector<16xf32>
        %add3A_622 = arith.constant 0 : i32
        %add3A_623 = arith.addi %mul3A_609, %add3A_622 : i32
        %swap3A_624 = arith.index_cast %add3A_623 : i32 to index
        %swap3A_625 = tpu.vector_load %arg8[%swap3A_624] {strides = array<i32>} : memref<65536xf32, #tpu.memory_space<vmem>>, vector<16xf32>,
        %swap3A_626 = vector.shape_cast %swap3A_625 : vector<16xf32> to vector<16xf32>
        %swap3A_627 = vector.shape_cast %get3A_621 : vector<16xf32> to vector<16xf32>
        tpu.vector_store %arg8[%swap3A_624], %swap3A_627 {add = true, strides = array<i32>} : memref<65536xf32, #tpu.memory_space<vmem>>, vector<16xf32>,
        %mul3A_628 = arith.constant 64 : i32
        %mul3A_629 = arith.muli %select_n3A_70, %mul3A_628 : i32
        %add3A_630 = arith.constant 16 : i32
        %add3A_631 = arith.addi %mul3A_629, %add3A_630 : i32
        %get3A_632 = arith.index_cast %add3A_613 : i32 to index
        %get3A_633 = arith.index_cast %add3A_631 : i32 to index
        %get3A_634 = tpu.vector_load %arg7[%get3A_632, %get3A_633] {strides = array<i32>} : memref<128x128xf32, #tpu.memory_space<vmem>>, vector<1x16xf32>,
        %get3A_635 = vector.shape_cast %get3A_634 : vector<1x16xf32> to vector<16xf32>
        %add3A_636 = arith.constant 16 : i32
        %add3A_637 = arith.addi %mul3A_609, %add3A_636 : i32
        %swap3A_638 = arith.index_cast %add3A_637 : i32 to index
        %swap3A_639 = tpu.vector_load %arg8[%swap3A_638] {strides = array<i32>} : memref<65536xf32, #tpu.memory_space<vmem>>, vector<16xf32>,
        %swap3A_640 = vector.shape_cast %swap3A_639 : vector<16xf32> to vector<16xf32>
        %swap3A_641 = vector.shape_cast %get3A_635 : vector<16xf32> to vector<16xf32>
        tpu.vector_store %arg8[%swap3A_638], %swap3A_641 {add = true, strides = array<i32>} : memref<65536xf32, #tpu.memory_space<vmem>>, vector<16xf32>,
        %mul3A_642 = arith.constant 64 : i32
        %mul3A_643 = arith.muli %select_n3A_70, %mul3A_642 : i32
        %add3A_644 = arith.constant 32 : i32
        %add3A_645 = arith.addi %mul3A_643, %add3A_644 : i32
        %get3A_646 = arith.index_cast %add3A_613 : i32 to index
        %get3A_647 = arith.index_cast %add3A_645 : i32 to index
        %get3A_648 = tpu.vector_load %arg7[%get3A_646, %get3A_647] {strides = array<i32>} : memref<128x128xf32, #tpu.memory_space<vmem>>, vector<1x16xf32>,
        %get3A_649 = vector.shape_cast %get3A_648 : vector<1x16xf32> to vector<16xf32>
        %add3A_650 = arith.constant 32 : i32
        %add3A_651 = arith.addi %mul3A_609, %add3A_650 : i32
        %swap3A_652 = arith.index_cast %add3A_651 : i32 to index
        %swap3A_653 = tpu.vector_load %arg8[%swap3A_652] {strides = array<i32>} : memref<65536xf32, #tpu.memory_space<vmem>>, vector<16xf32>,
        %swap3A_654 = vector.shape_cast %swap3A_653 : vector<16xf32> to vector<16xf32>
        %swap3A_655 = vector.shape_cast %get3A_649 : vector<16xf32> to vector<16xf32>
        tpu.vector_store %arg8[%swap3A_652], %swap3A_655 {add = true, strides = array<i32>} : memref<65536xf32, #tpu.memory_space<vmem>>, vector<16xf32>,
        %mul3A_656 = arith.constant 64 : i32
        %mul3A_657 = arith.muli %select_n3A_70, %mul3A_656 : i32
        %add3A_658 = arith.constant 48 : i32
        %add3A_659 = arith.addi %mul3A_657, %add3A_658 : i32
        %get3A_660 = arith.index_cast %add3A_613 : i32 to index
        %get3A_661 = arith.index_cast %add3A_659 : i32 to index
        %get3A_662 = tpu.vector_load %arg7[%get3A_660, %get3A_661] {strides = array<i32>} : memref<128x128xf32, #tpu.memory_space<vmem>>, vector<1x16xf32>,
        %get3A_663 = vector.shape_cast %get3A_662 : vector<1x16xf32> to vector<16xf32>
        %add3A_664 = arith.constant 48 : i32
        %add3A_665 = arith.addi %mul3A_609, %add3A_664 : i32
        %swap3A_666 = arith.index_cast %add3A_665 : i32 to index
        %swap3A_667 = tpu.vector_load %arg8[%swap3A_666] {strides = array<i32>} : memref<65536xf32, #tpu.memory_space<vmem>>, vector<16xf32>,
        %swap3A_668 = vector.shape_cast %swap3A_667 : vector<16xf32> to vector<16xf32>
        %swap3A_669 = vector.shape_cast %get3A_663 : vector<16xf32> to vector<16xf32>
        tpu.vector_store %arg8[%swap3A_666], %swap3A_669 {add = true, strides = array<i32>} : memref<65536xf32, #tpu.memory_space<vmem>>, vector<16xf32>,
        %slice3A_670 = vector.extract_strided_slice %get3A_96 {offsets = [9], sizes = [1], strides = [1]} : vector<16xi32> to vector<1xi32>
        %squeeze3A_671 = vector.extract %slice3A_670[0] : i32 from vector<1xi32>
        %mul3A_672 = arith.constant 64 : i32
        %mul3A_673 = arith.muli %squeeze3A_671, %mul3A_672 : i32
        %mul3A_674 = arith.constant 16 : i32
        %mul3A_675 = arith.muli %scan3A_91, %mul3A_674 : i32
        %add3A_676 = arith.constant 9 : i32
        %add3A_677 = arith.addi %mul3A_675, %add3A_676 : i32
        %mul3A_678 = arith.constant 64 : i32
        %mul3A_679 = arith.muli %select_n3A_70, %mul3A_678 : i32
        %add3A_680 = arith.constant 0 : i32
        %add3A_681 = arith.addi %mul3A_679, %add3A_680 : i32
        %get3A_682 = arith.index_cast %add3A_677 : i32 to index
        %get3A_683 = arith.index_cast %add3A_681 : i32 to index
        %get3A_684 = tpu.vector_load %arg7[%get3A_682, %get3A_683] {strides = array<i32>} : memref<128x128xf32, #tpu.memory_space<vmem>>, vector<1x16xf32>,
        %get3A_685 = vector.shape_cast %get3A_684 : vector<1x16xf32> to vector<16xf32>
        %add3A_686 = arith.constant 0 : i32
        %add3A_687 = arith.addi %mul3A_673, %add3A_686 : i32
        %swap3A_688 = arith.index_cast %add3A_687 : i32 to index
        %swap3A_689 = tpu.vector_load %arg8[%swap3A_688] {strides = array<i32>} : memref<65536xf32, #tpu.memory_space<vmem>>, vector<16xf32>,
        %swap3A_690 = vector.shape_cast %swap3A_689 : vector<16xf32> to vector<16xf32>
        %swap3A_691 = vector.shape_cast %get3A_685 : vector<16xf32> to vector<16xf32>
        tpu.vector_store %arg8[%swap3A_688], %swap3A_691 {add = true, strides = array<i32>} : memref<65536xf32, #tpu.memory_space<vmem>>, vector<16xf32>,
        %mul3A_692 = arith.constant 64 : i32
        %mul3A_693 = arith.muli %select_n3A_70, %mul3A_692 : i32
        %add3A_694 = arith.constant 16 : i32
        %add3A_695 = arith.addi %mul3A_693, %add3A_694 : i32
        %get3A_696 = arith.index_cast %add3A_677 : i32 to index
        %get3A_697 = arith.index_cast %add3A_695 : i32 to index
        %get3A_698 = tpu.vector_load %arg7[%get3A_696, %get3A_697] {strides = array<i32>} : memref<128x128xf32, #tpu.memory_space<vmem>>, vector<1x16xf32>,
        %get3A_699 = vector.shape_cast %get3A_698 : vector<1x16xf32> to vector<16xf32>
        %add3A_700 = arith.constant 16 : i32
        %add3A_701 = arith.addi %mul3A_673, %add3A_700 : i32
        %swap3A_702 = arith.index_cast %add3A_701 : i32 to index
        %swap3A_703 = tpu.vector_load %arg8[%swap3A_702] {strides = array<i32>} : memref<65536xf32, #tpu.memory_space<vmem>>, vector<16xf32>,
        %swap3A_704 = vector.shape_cast %swap3A_703 : vector<16xf32> to vector<16xf32>
        %swap3A_705 = vector.shape_cast %get3A_699 : vector<16xf32> to vector<16xf32>
        tpu.vector_store %arg8[%swap3A_702], %swap3A_705 {add = true, strides = array<i32>} : memref<65536xf32, #tpu.memory_space<vmem>>, vector<16xf32>,
        %mul3A_706 = arith.constant 64 : i32
        %mul3A_707 = arith.muli %select_n3A_70, %mul3A_706 : i32
        %add3A_708 = arith.constant 32 : i32
        %add3A_709 = arith.addi %mul3A_707, %add3A_708 : i32
        %get3A_710 = arith.index_cast %add3A_677 : i32 to index
        %get3A_711 = arith.index_cast %add3A_709 : i32 to index
        %get3A_712 = tpu.vector_load %arg7[%get3A_710, %get3A_711] {strides = array<i32>} : memref<128x128xf32, #tpu.memory_space<vmem>>, vector<1x16xf32>,
        %get3A_713 = vector.shape_cast %get3A_712 : vector<1x16xf32> to vector<16xf32>
        %add3A_714 = arith.constant 32 : i32
        %add3A_715 = arith.addi %mul3A_673, %add3A_714 : i32
        %swap3A_716 = arith.index_cast %add3A_715 : i32 to index
        %swap3A_717 = tpu.vector_load %arg8[%swap3A_716] {strides = array<i32>} : memref<65536xf32, #tpu.memory_space<vmem>>, vector<16xf32>,
        %swap3A_718 = vector.shape_cast %swap3A_717 : vector<16xf32> to vector<16xf32>
        %swap3A_719 = vector.shape_cast %get3A_713 : vector<16xf32> to vector<16xf32>
        tpu.vector_store %arg8[%swap3A_716], %swap3A_719 {add = true, strides = array<i32>} : memref<65536xf32, #tpu.memory_space<vmem>>, vector<16xf32>,
        %mul3A_720 = arith.constant 64 : i32
        %mul3A_721 = arith.muli %select_n3A_70, %mul3A_720 : i32
        %add3A_722 = arith.constant 48 : i32
        %add3A_723 = arith.addi %mul3A_721, %add3A_722 : i32
        %get3A_724 = arith.index_cast %add3A_677 : i32 to index
        %get3A_725 = arith.index_cast %add3A_723 : i32 to index
        %get3A_726 = tpu.vector_load %arg7[%get3A_724, %get3A_725] {strides = array<i32>} : memref<128x128xf32, #tpu.memory_space<vmem>>, vector<1x16xf32>,
        %get3A_727 = vector.shape_cast %get3A_726 : vector<1x16xf32> to vector<16xf32>
        %add3A_728 = arith.constant 48 : i32
        %add3A_729 = arith.addi %mul3A_673, %add3A_728 : i32
        %swap3A_730 = arith.index_cast %add3A_729 : i32 to index
        %swap3A_731 = tpu.vector_load %arg8[%swap3A_730] {strides = array<i32>} : memref<65536xf32, #tpu.memory_space<vmem>>, vector<16xf32>,
        %swap3A_732 = vector.shape_cast %swap3A_731 : vector<16xf32> to vector<16xf32>
        %swap3A_733 = vector.shape_cast %get3A_727 : vector<16xf32> to vector<16xf32>
        tpu.vector_store %arg8[%swap3A_730], %swap3A_733 {add = true, strides = array<i32>} : memref<65536xf32, #tpu.memory_space<vmem>>, vector<16xf32>,
        %slice3A_734 = vector.extract_strided_slice %get3A_96 {offsets = [10], sizes = [1], strides = [1]} : vector<16xi32> to vector<1xi32>
        %squeeze3A_735 = vector.extract %slice3A_734[0] : i32 from vector<1xi32>
        %mul3A_736 = arith.constant 64 : i32
        %mul3A_737 = arith.muli %squeeze3A_735, %mul3A_736 : i32
        %mul3A_738 = arith.constant 16 : i32
        %mul3A_739 = arith.muli %scan3A_91, %mul3A_738 : i32
        %add3A_740 = arith.constant 10 : i32
        %add3A_741 = arith.addi %mul3A_739, %add3A_740 : i32
        %mul3A_742 = arith.constant 64 : i32
        %mul3A_743 = arith.muli %select_n3A_70, %mul3A_742 : i32
        %add3A_744 = arith.constant 0 : i32
        %add3A_745 = arith.addi %mul3A_743, %add3A_744 : i32
        %get3A_746 = arith.index_cast %add3A_741 : i32 to index
        %get3A_747 = arith.index_cast %add3A_745 : i32 to index
        %get3A_748 = tpu.vector_load %arg7[%get3A_746, %get3A_747] {strides = array<i32>} : memref<128x128xf32, #tpu.memory_space<vmem>>, vector<1x16xf32>,
        %get3A_749 = vector.shape_cast %get3A_748 : vector<1x16xf32> to vector<16xf32>
        %add3A_750 = arith.constant 0 : i32
        %add3A_751 = arith.addi %mul3A_737, %add3A_750 : i32
        %swap3A_752 = arith.index_cast %add3A_751 : i32 to index
        %swap3A_753 = tpu.vector_load %arg8[%swap3A_752] {strides = array<i32>} : memref<65536xf32, #tpu.memory_space<vmem>>, vector<16xf32>,
        %swap3A_754 = vector.shape_cast %swap3A_753 : vector<16xf32> to vector<16xf32>
        %swap3A_755 = vector.shape_cast %get3A_749 : vector<16xf32> to vector<16xf32>
        tpu.vector_store %arg8[%swap3A_752], %swap3A_755 {add = true, strides = array<i32>} : memref<65536xf32, #tpu.memory_space<vmem>>, vector<16xf32>,
        %mul3A_756 = arith.constant 64 : i32
        %mul3A_757 = arith.muli %select_n3A_70, %mul3A_756 : i32
        %add3A_758 = arith.constant 16 : i32
        %add3A_759 = arith.addi %mul3A_757, %add3A_758 : i32
        %get3A_760 = arith.index_cast %add3A_741 : i32 to index
        %get3A_761 = arith.index_cast %add3A_759 : i32 to index
        %get3A_762 = tpu.vector_load %arg7[%get3A_760, %get3A_761] {strides = array<i32>} : memref<128x128xf32, #tpu.memory_space<vmem>>, vector<1x16xf32>,
        %get3A_763 = vector.shape_cast %get3A_762 : vector<1x16xf32> to vector<16xf32>
        %add3A_764 = arith.constant 16 : i32
        %add3A_765 = arith.addi %mul3A_737, %add3A_764 : i32
        %swap3A_766 = arith.index_cast %add3A_765 : i32 to index
        %swap3A_767 = tpu.vector_load %arg8[%swap3A_766] {strides = array<i32>} : memref<65536xf32, #tpu.memory_space<vmem>>, vector<16xf32>,
        %swap3A_768 = vector.shape_cast %swap3A_767 : vector<16xf32> to vector<16xf32>
        %swap3A_769 = vector.shape_cast %get3A_763 : vector<16xf32> to vector<16xf32>
        tpu.vector_store %arg8[%swap3A_766], %swap3A_769 {add = true, strides = array<i32>} : memref<65536xf32, #tpu.memory_space<vmem>>, vector<16xf32>,
        %mul3A_770 = arith.constant 64 : i32
        %mul3A_771 = arith.muli %select_n3A_70, %mul3A_770 : i32
        %add3A_772 = arith.constant 32 : i32
        %add3A_773 = arith.addi %mul3A_771, %add3A_772 : i32
        %get3A_774 = arith.index_cast %add3A_741 : i32 to index
        %get3A_775 = arith.index_cast %add3A_773 : i32 to index
        %get3A_776 = tpu.vector_load %arg7[%get3A_774, %get3A_775] {strides = array<i32>} : memref<128x128xf32, #tpu.memory_space<vmem>>, vector<1x16xf32>,
        %get3A_777 = vector.shape_cast %get3A_776 : vector<1x16xf32> to vector<16xf32>
        %add3A_778 = arith.constant 32 : i32
        %add3A_779 = arith.addi %mul3A_737, %add3A_778 : i32
        %swap3A_780 = arith.index_cast %add3A_779 : i32 to index
        %swap3A_781 = tpu.vector_load %arg8[%swap3A_780] {strides = array<i32>} : memref<65536xf32, #tpu.memory_space<vmem>>, vector<16xf32>,
        %swap3A_782 = vector.shape_cast %swap3A_781 : vector<16xf32> to vector<16xf32>
        %swap3A_783 = vector.shape_cast %get3A_777 : vector<16xf32> to vector<16xf32>
        tpu.vector_store %arg8[%swap3A_780], %swap3A_783 {add = true, strides = array<i32>} : memref<65536xf32, #tpu.memory_space<vmem>>, vector<16xf32>,
        %mul3A_784 = arith.constant 64 : i32
        %mul3A_785 = arith.muli %select_n3A_70, %mul3A_784 : i32
        %add3A_786 = arith.constant 48 : i32
        %add3A_787 = arith.addi %mul3A_785, %add3A_786 : i32
        %get3A_788 = arith.index_cast %add3A_741 : i32 to index
        %get3A_789 = arith.index_cast %add3A_787 : i32 to index
        %get3A_790 = tpu.vector_load %arg7[%get3A_788, %get3A_789] {strides = array<i32>} : memref<128x128xf32, #tpu.memory_space<vmem>>, vector<1x16xf32>,
        %get3A_791 = vector.shape_cast %get3A_790 : vector<1x16xf32> to vector<16xf32>
        %add3A_792 = arith.constant 48 : i32
        %add3A_793 = arith.addi %mul3A_737, %add3A_792 : i32
        %swap3A_794 = arith.index_cast %add3A_793 : i32 to index
        %swap3A_795 = tpu.vector_load %arg8[%swap3A_794] {strides = array<i32>} : memref<65536xf32, #tpu.memory_space<vmem>>, vector<16xf32>,
        %swap3A_796 = vector.shape_cast %swap3A_795 : vector<16xf32> to vector<16xf32>
        %swap3A_797 = vector.shape_cast %get3A_791 : vector<16xf32> to vector<16xf32>
        tpu.vector_store %arg8[%swap3A_794], %swap3A_797 {add = true, strides = array<i32>} : memref<65536xf32, #tpu.memory_space<vmem>>, vector<16xf32>,
        %slice3A_798 = vector.extract_strided_slice %get3A_96 {offsets = [11], sizes = [1], strides = [1]} : vector<16xi32> to vector<1xi32>
        %squeeze3A_799 = vector.extract %slice3A_798[0] : i32 from vector<1xi32>
        %mul3A_800 = arith.constant 64 : i32
        %mul3A_801 = arith.muli %squeeze3A_799, %mul3A_800 : i32
        %mul3A_802 = arith.constant 16 : i32
        %mul3A_803 = arith.muli %scan3A_91, %mul3A_802 : i32
        %add3A_804 = arith.constant 11 : i32
        %add3A_805 = arith.addi %mul3A_803, %add3A_804 : i32
        %mul3A_806 = arith.constant 64 : i32
        %mul3A_807 = arith.muli %select_n3A_70, %mul3A_806 : i32
        %add3A_808 = arith.constant 0 : i32
        %add3A_809 = arith.addi %mul3A_807, %add3A_808 : i32
        %get3A_810 = arith.index_cast %add3A_805 : i32 to index
        %get3A_811 = arith.index_cast %add3A_809 : i32 to index
        %get3A_812 = tpu.vector_load %arg7[%get3A_810, %get3A_811] {strides = array<i32>} : memref<128x128xf32, #tpu.memory_space<vmem>>, vector<1x16xf32>,
        %get3A_813 = vector.shape_cast %get3A_812 : vector<1x16xf32> to vector<16xf32>
        %add3A_814 = arith.constant 0 : i32
        %add3A_815 = arith.addi %mul3A_801, %add3A_814 : i32
        %swap3A_816 = arith.index_cast %add3A_815 : i32 to index
        %swap3A_817 = tpu.vector_load %arg8[%swap3A_816] {strides = array<i32>} : memref<65536xf32, #tpu.memory_space<vmem>>, vector<16xf32>,
        %swap3A_818 = vector.shape_cast %swap3A_817 : vector<16xf32> to vector<16xf32>
        %swap3A_819 = vector.shape_cast %get3A_813 : vector<16xf32> to vector<16xf32>
        tpu.vector_store %arg8[%swap3A_816], %swap3A_819 {add = true, strides = array<i32>} : memref<65536xf32, #tpu.memory_space<vmem>>, vector<16xf32>,
        %mul3A_820 = arith.constant 64 : i32
        %mul3A_821 = arith.muli %select_n3A_70, %mul3A_820 : i32
        %add3A_822 = arith.constant 16 : i32
        %add3A_823 = arith.addi %mul3A_821, %add3A_822 : i32
        %get3A_824 = arith.index_cast %add3A_805 : i32 to index
        %get3A_825 = arith.index_cast %add3A_823 : i32 to index
        %get3A_826 = tpu.vector_load %arg7[%get3A_824, %get3A_825] {strides = array<i32>} : memref<128x128xf32, #tpu.memory_space<vmem>>, vector<1x16xf32>,
        %get3A_827 = vector.shape_cast %get3A_826 : vector<1x16xf32> to vector<16xf32>
        %add3A_828 = arith.constant 16 : i32
        %add3A_829 = arith.addi %mul3A_801, %add3A_828 : i32
        %swap3A_830 = arith.index_cast %add3A_829 : i32 to index
        %swap3A_831 = tpu.vector_load %arg8[%swap3A_830] {strides = array<i32>} : memref<65536xf32, #tpu.memory_space<vmem>>, vector<16xf32>,
        %swap3A_832 = vector.shape_cast %swap3A_831 : vector<16xf32> to vector<16xf32>
        %swap3A_833 = vector.shape_cast %get3A_827 : vector<16xf32> to vector<16xf32>
        tpu.vector_store %arg8[%swap3A_830], %swap3A_833 {add = true, strides = array<i32>} : memref<65536xf32, #tpu.memory_space<vmem>>, vector<16xf32>,
        %mul3A_834 = arith.constant 64 : i32
        %mul3A_835 = arith.muli %select_n3A_70, %mul3A_834 : i32
        %add3A_836 = arith.constant 32 : i32
        %add3A_837 = arith.addi %mul3A_835, %add3A_836 : i32
        %get3A_838 = arith.index_cast %add3A_805 : i32 to index
        %get3A_839 = arith.index_cast %add3A_837 : i32 to index
        %get3A_840 = tpu.vector_load %arg7[%get3A_838, %get3A_839] {strides = array<i32>} : memref<128x128xf32, #tpu.memory_space<vmem>>, vector<1x16xf32>,
        %get3A_841 = vector.shape_cast %get3A_840 : vector<1x16xf32> to vector<16xf32>
        %add3A_842 = arith.constant 32 : i32
        %add3A_843 = arith.addi %mul3A_801, %add3A_842 : i32
        %swap3A_844 = arith.index_cast %add3A_843 : i32 to index
        %swap3A_845 = tpu.vector_load %arg8[%swap3A_844] {strides = array<i32>} : memref<65536xf32, #tpu.memory_space<vmem>>, vector<16xf32>,
        %swap3A_846 = vector.shape_cast %swap3A_845 : vector<16xf32> to vector<16xf32>
        %swap3A_847 = vector.shape_cast %get3A_841 : vector<16xf32> to vector<16xf32>
        tpu.vector_store %arg8[%swap3A_844], %swap3A_847 {add = true, strides = array<i32>} : memref<65536xf32, #tpu.memory_space<vmem>>, vector<16xf32>,
        %mul3A_848 = arith.constant 64 : i32
        %mul3A_849 = arith.muli %select_n3A_70, %mul3A_848 : i32
        %add3A_850 = arith.constant 48 : i32
        %add3A_851 = arith.addi %mul3A_849, %add3A_850 : i32
        %get3A_852 = arith.index_cast %add3A_805 : i32 to index
        %get3A_853 = arith.index_cast %add3A_851 : i32 to index
        %get3A_854 = tpu.vector_load %arg7[%get3A_852, %get3A_853] {strides = array<i32>} : memref<128x128xf32, #tpu.memory_space<vmem>>, vector<1x16xf32>,
        %get3A_855 = vector.shape_cast %get3A_854 : vector<1x16xf32> to vector<16xf32>
        %add3A_856 = arith.constant 48 : i32
        %add3A_857 = arith.addi %mul3A_801, %add3A_856 : i32
        %swap3A_858 = arith.index_cast %add3A_857 : i32 to index
        %swap3A_859 = tpu.vector_load %arg8[%swap3A_858] {strides = array<i32>} : memref<65536xf32, #tpu.memory_space<vmem>>, vector<16xf32>,
        %swap3A_860 = vector.shape_cast %swap3A_859 : vector<16xf32> to vector<16xf32>
        %swap3A_861 = vector.shape_cast %get3A_855 : vector<16xf32> to vector<16xf32>
        tpu.vector_store %arg8[%swap3A_858], %swap3A_861 {add = true, strides = array<i32>} : memref<65536xf32, #tpu.memory_space<vmem>>, vector<16xf32>,
        %slice3A_862 = vector.extract_strided_slice %get3A_96 {offsets = [12], sizes = [1], strides = [1]} : vector<16xi32> to vector<1xi32>
        %squeeze3A_863 = vector.extract %slice3A_862[0] : i32 from vector<1xi32>
        %mul3A_864 = arith.constant 64 : i32
        %mul3A_865 = arith.muli %squeeze3A_863, %mul3A_864 : i32
        %mul3A_866 = arith.constant 16 : i32
        %mul3A_867 = arith.muli %scan3A_91, %mul3A_866 : i32
        %add3A_868 = arith.constant 12 : i32
        %add3A_869 = arith.addi %mul3A_867, %add3A_868 : i32
        %mul3A_870 = arith.constant 64 : i32
        %mul3A_871 = arith.muli %select_n3A_70, %mul3A_870 : i32
        %add3A_872 = arith.constant 0 : i32
        %add3A_873 = arith.addi %mul3A_871, %add3A_872 : i32
        %get3A_874 = arith.index_cast %add3A_869 : i32 to index
        %get3A_875 = arith.index_cast %add3A_873 : i32 to index
        %get3A_876 = tpu.vector_load %arg7[%get3A_874, %get3A_875] {strides = array<i32>} : memref<128x128xf32, #tpu.memory_space<vmem>>, vector<1x16xf32>,
        %get3A_877 = vector.shape_cast %get3A_876 : vector<1x16xf32> to vector<16xf32>
        %add3A_878 = arith.constant 0 : i32
        %add3A_879 = arith.addi %mul3A_865, %add3A_878 : i32
        %swap3A_880 = arith.index_cast %add3A_879 : i32 to index
        %swap3A_881 = tpu.vector_load %arg8[%swap3A_880] {strides = array<i32>} : memref<65536xf32, #tpu.memory_space<vmem>>, vector<16xf32>,
        %swap3A_882 = vector.shape_cast %swap3A_881 : vector<16xf32> to vector<16xf32>
        %swap3A_883 = vector.shape_cast %get3A_877 : vector<16xf32> to vector<16xf32>
        tpu.vector_store %arg8[%swap3A_880], %swap3A_883 {add = true, strides = array<i32>} : memref<65536xf32, #tpu.memory_space<vmem>>, vector<16xf32>,
        %mul3A_884 = arith.constant 64 : i32
        %mul3A_885 = arith.muli %select_n3A_70, %mul3A_884 : i32
        %add3A_886 = arith.constant 16 : i32
        %add3A_887 = arith.addi %mul3A_885, %add3A_886 : i32
        %get3A_888 = arith.index_cast %add3A_869 : i32 to index
        %get3A_889 = arith.index_cast %add3A_887 : i32 to index
        %get3A_890 = tpu.vector_load %arg7[%get3A_888, %get3A_889] {strides = array<i32>} : memref<128x128xf32, #tpu.memory_space<vmem>>, vector<1x16xf32>,
        %get3A_891 = vector.shape_cast %get3A_890 : vector<1x16xf32> to vector<16xf32>
        %add3A_892 = arith.constant 16 : i32
        %add3A_893 = arith.addi %mul3A_865, %add3A_892 : i32
        %swap3A_894 = arith.index_cast %add3A_893 : i32 to index
        %swap3A_895 = tpu.vector_load %arg8[%swap3A_894] {strides = array<i32>} : memref<65536xf32, #tpu.memory_space<vmem>>, vector<16xf32>,
        %swap3A_896 = vector.shape_cast %swap3A_895 : vector<16xf32> to vector<16xf32>
        %swap3A_897 = vector.shape_cast %get3A_891 : vector<16xf32> to vector<16xf32>
        tpu.vector_store %arg8[%swap3A_894], %swap3A_897 {add = true, strides = array<i32>} : memref<65536xf32, #tpu.memory_space<vmem>>, vector<16xf32>,
        %mul3A_898 = arith.constant 64 : i32
        %mul3A_899 = arith.muli %select_n3A_70, %mul3A_898 : i32
        %add3A_900 = arith.constant 32 : i32
        %add3A_901 = arith.addi %mul3A_899, %add3A_900 : i32
        %get3A_902 = arith.index_cast %add3A_869 : i32 to index
        %get3A_903 = arith.index_cast %add3A_901 : i32 to index
        %get3A_904 = tpu.vector_load %arg7[%get3A_902, %get3A_903] {strides = array<i32>} : memref<128x128xf32, #tpu.memory_space<vmem>>, vector<1x16xf32>,
        %get3A_905 = vector.shape_cast %get3A_904 : vector<1x16xf32> to vector<16xf32>
        %add3A_906 = arith.constant 32 : i32
        %add3A_907 = arith.addi %mul3A_865, %add3A_906 : i32
        %swap3A_908 = arith.index_cast %add3A_907 : i32 to index
        %swap3A_909 = tpu.vector_load %arg8[%swap3A_908] {strides = array<i32>} : memref<65536xf32, #tpu.memory_space<vmem>>, vector<16xf32>,
        %swap3A_910 = vector.shape_cast %swap3A_909 : vector<16xf32> to vector<16xf32>
        %swap3A_911 = vector.shape_cast %get3A_905 : vector<16xf32> to vector<16xf32>
        tpu.vector_store %arg8[%swap3A_908], %swap3A_911 {add = true, strides = array<i32>} : memref<65536xf32, #tpu.memory_space<vmem>>, vector<16xf32>,
        %mul3A_912 = arith.constant 64 : i32
        %mul3A_913 = arith.muli %select_n3A_70, %mul3A_912 : i32
        %add3A_914 = arith.constant 48 : i32
        %add3A_915 = arith.addi %mul3A_913, %add3A_914 : i32
        %get3A_916 = arith.index_cast %add3A_869 : i32 to index
        %get3A_917 = arith.index_cast %add3A_915 : i32 to index
        %get3A_918 = tpu.vector_load %arg7[%get3A_916, %get3A_917] {strides = array<i32>} : memref<128x128xf32, #tpu.memory_space<vmem>>, vector<1x16xf32>,
        %get3A_919 = vector.shape_cast %get3A_918 : vector<1x16xf32> to vector<16xf32>
        %add3A_920 = arith.constant 48 : i32
        %add3A_921 = arith.addi %mul3A_865, %add3A_920 : i32
        %swap3A_922 = arith.index_cast %add3A_921 : i32 to index
        %swap3A_923 = tpu.vector_load %arg8[%swap3A_922] {strides = array<i32>} : memref<65536xf32, #tpu.memory_space<vmem>>, vector<16xf32>,
        %swap3A_924 = vector.shape_cast %swap3A_923 : vector<16xf32> to vector<16xf32>
        %swap3A_925 = vector.shape_cast %get3A_919 : vector<16xf32> to vector<16xf32>
        tpu.vector_store %arg8[%swap3A_922], %swap3A_925 {add = true, strides = array<i32>} : memref<65536xf32, #tpu.memory_space<vmem>>, vector<16xf32>,
        %slice3A_926 = vector.extract_strided_slice %get3A_96 {offsets = [13], sizes = [1], strides = [1]} : vector<16xi32> to vector<1xi32>
        %squeeze3A_927 = vector.extract %slice3A_926[0] : i32 from vector<1xi32>
        %mul3A_928 = arith.constant 64 : i32
        %mul3A_929 = arith.muli %squeeze3A_927, %mul3A_928 : i32
        %mul3A_930 = arith.constant 16 : i32
        %mul3A_931 = arith.muli %scan3A_91, %mul3A_930 : i32
        %add3A_932 = arith.constant 13 : i32
        %add3A_933 = arith.addi %mul3A_931, %add3A_932 : i32
        %mul3A_934 = arith.constant 64 : i32
        %mul3A_935 = arith.muli %select_n3A_70, %mul3A_934 : i32
        %add3A_936 = arith.constant 0 : i32
        %add3A_937 = arith.addi %mul3A_935, %add3A_936 : i32
        %get3A_938 = arith.index_cast %add3A_933 : i32 to index
        %get3A_939 = arith.index_cast %add3A_937 : i32 to index
        %get3A_940 = tpu.vector_load %arg7[%get3A_938, %get3A_939] {strides = array<i32>} : memref<128x128xf32, #tpu.memory_space<vmem>>, vector<1x16xf32>,
        %get3A_941 = vector.shape_cast %get3A_940 : vector<1x16xf32> to vector<16xf32>
        %add3A_942 = arith.constant 0 : i32
        %add3A_943 = arith.addi %mul3A_929, %add3A_942 : i32
        %swap3A_944 = arith.index_cast %add3A_943 : i32 to index
        %swap3A_945 = tpu.vector_load %arg8[%swap3A_944] {strides = array<i32>} : memref<65536xf32, #tpu.memory_space<vmem>>, vector<16xf32>,
        %swap3A_946 = vector.shape_cast %swap3A_945 : vector<16xf32> to vector<16xf32>
        %swap3A_947 = vector.shape_cast %get3A_941 : vector<16xf32> to vector<16xf32>
        tpu.vector_store %arg8[%swap3A_944], %swap3A_947 {add = true, strides = array<i32>} : memref<65536xf32, #tpu.memory_space<vmem>>, vector<16xf32>,
        %mul3A_948 = arith.constant 64 : i32
        %mul3A_949 = arith.muli %select_n3A_70, %mul3A_948 : i32
        %add3A_950 = arith.constant 16 : i32
        %add3A_951 = arith.addi %mul3A_949, %add3A_950 : i32
        %get3A_952 = arith.index_cast %add3A_933 : i32 to index
        %get3A_953 = arith.index_cast %add3A_951 : i32 to index
        %get3A_954 = tpu.vector_load %arg7[%get3A_952, %get3A_953] {strides = array<i32>} : memref<128x128xf32, #tpu.memory_space<vmem>>, vector<1x16xf32>,
        %get3A_955 = vector.shape_cast %get3A_954 : vector<1x16xf32> to vector<16xf32>
        %add3A_956 = arith.constant 16 : i32
        %add3A_957 = arith.addi %mul3A_929, %add3A_956 : i32
        %swap3A_958 = arith.index_cast %add3A_957 : i32 to index
        %swap3A_959 = tpu.vector_load %arg8[%swap3A_958] {strides = array<i32>} : memref<65536xf32, #tpu.memory_space<vmem>>, vector<16xf32>,
        %swap3A_960 = vector.shape_cast %swap3A_959 : vector<16xf32> to vector<16xf32>
        %swap3A_961 = vector.shape_cast %get3A_955 : vector<16xf32> to vector<16xf32>
        tpu.vector_store %arg8[%swap3A_958], %swap3A_961 {add = true, strides = array<i32>} : memref<65536xf32, #tpu.memory_space<vmem>>, vector<16xf32>,
        %mul3A_962 = arith.constant 64 : i32
        %mul3A_963 = arith.muli %select_n3A_70, %mul3A_962 : i32
        %add3A_964 = arith.constant 32 : i32
        %add3A_965 = arith.addi %mul3A_963, %add3A_964 : i32
        %get3A_966 = arith.index_cast %add3A_933 : i32 to index
        %get3A_967 = arith.index_cast %add3A_965 : i32 to index
        %get3A_968 = tpu.vector_load %arg7[%get3A_966, %get3A_967] {strides = array<i32>} : memref<128x128xf32, #tpu.memory_space<vmem>>, vector<1x16xf32>,
        %get3A_969 = vector.shape_cast %get3A_968 : vector<1x16xf32> to vector<16xf32>
        %add3A_970 = arith.constant 32 : i32
        %add3A_971 = arith.addi %mul3A_929, %add3A_970 : i32
        %swap3A_972 = arith.index_cast %add3A_971 : i32 to index
        %swap3A_973 = tpu.vector_load %arg8[%swap3A_972] {strides = array<i32>} : memref<65536xf32, #tpu.memory_space<vmem>>, vector<16xf32>,
        %swap3A_974 = vector.shape_cast %swap3A_973 : vector<16xf32> to vector<16xf32>
        %swap3A_975 = vector.shape_cast %get3A_969 : vector<16xf32> to vector<16xf32>
        tpu.vector_store %arg8[%swap3A_972], %swap3A_975 {add = true, strides = array<i32>} : memref<65536xf32, #tpu.memory_space<vmem>>, vector<16xf32>,
        %mul3A_976 = arith.constant 64 : i32
        %mul3A_977 = arith.muli %select_n3A_70, %mul3A_976 : i32
        %add3A_978 = arith.constant 48 : i32
        %add3A_979 = arith.addi %mul3A_977, %add3A_978 : i32
        %get3A_980 = arith.index_cast %add3A_933 : i32 to index
        %get3A_981 = arith.index_cast %add3A_979 : i32 to index
        %get3A_982 = tpu.vector_load %arg7[%get3A_980, %get3A_981] {strides = array<i32>} : memref<128x128xf32, #tpu.memory_space<vmem>>, vector<1x16xf32>,
        %get3A_983 = vector.shape_cast %get3A_982 : vector<1x16xf32> to vector<16xf32>
        %add3A_984 = arith.constant 48 : i32
        %add3A_985 = arith.addi %mul3A_929, %add3A_984 : i32
        %swap3A_986 = arith.index_cast %add3A_985 : i32 to index
        %swap3A_987 = tpu.vector_load %arg8[%swap3A_986] {strides = array<i32>} : memref<65536xf32, #tpu.memory_space<vmem>>, vector<16xf32>,
        %swap3A_988 = vector.shape_cast %swap3A_987 : vector<16xf32> to vector<16xf32>
        %swap3A_989 = vector.shape_cast %get3A_983 : vector<16xf32> to vector<16xf32>
        tpu.vector_store %arg8[%swap3A_986], %swap3A_989 {add = true, strides = array<i32>} : memref<65536xf32, #tpu.memory_space<vmem>>, vector<16xf32>,
        %slice3A_990 = vector.extract_strided_slice %get3A_96 {offsets = [14], sizes = [1], strides = [1]} : vector<16xi32> to vector<1xi32>
        %squeeze3A_991 = vector.extract %slice3A_990[0] : i32 from vector<1xi32>
        %mul3A_992 = arith.constant 64 : i32
        %mul3A_993 = arith.muli %squeeze3A_991, %mul3A_992 : i32
        %mul3A_994 = arith.constant 16 : i32
        %mul3A_995 = arith.muli %scan3A_91, %mul3A_994 : i32
        %add3A_996 = arith.constant 14 : i32
        %add3A_997 = arith.addi %mul3A_995, %add3A_996 : i32
        %mul3A_998 = arith.constant 64 : i32
        %mul3A_999 = arith.muli %select_n3A_70, %mul3A_998 : i32
        %add3A_1000 = arith.constant 0 : i32
        %add3A_1001 = arith.addi %mul3A_999, %add3A_1000 : i32
        %get3A_1002 = arith.index_cast %add3A_997 : i32 to index
        %get3A_1003 = arith.index_cast %add3A_1001 : i32 to index
        %get3A_1004 = tpu.vector_load %arg7[%get3A_1002, %get3A_1003] {strides = array<i32>} : memref<128x128xf32, #tpu.memory_space<vmem>>, vector<1x16xf32>,
        %get3A_1005 = vector.shape_cast %get3A_1004 : vector<1x16xf32> to vector<16xf32>
        %add3A_1006 = arith.constant 0 : i32
        %add3A_1007 = arith.addi %mul3A_993, %add3A_1006 : i32
        %swap3A_1008 = arith.index_cast %add3A_1007 : i32 to index
        %swap3A_1009 = tpu.vector_load %arg8[%swap3A_1008] {strides = array<i32>} : memref<65536xf32, #tpu.memory_space<vmem>>, vector<16xf32>,
        %swap3A_1010 = vector.shape_cast %swap3A_1009 : vector<16xf32> to vector<16xf32>
        %swap3A_1011 = vector.shape_cast %get3A_1005 : vector<16xf32> to vector<16xf32>
        tpu.vector_store %arg8[%swap3A_1008], %swap3A_1011 {add = true, strides = array<i32>} : memref<65536xf32, #tpu.memory_space<vmem>>, vector<16xf32>,
        %mul3A_1012 = arith.constant 64 : i32
        %mul3A_1013 = arith.muli %select_n3A_70, %mul3A_1012 : i32
        %add3A_1014 = arith.constant 16 : i32
        %add3A_1015 = arith.addi %mul3A_1013, %add3A_1014 : i32
        %get3A_1016 = arith.index_cast %add3A_997 : i32 to index
        %get3A_1017 = arith.index_cast %add3A_1015 : i32 to index
        %get3A_1018 = tpu.vector_load %arg7[%get3A_1016, %get3A_1017] {strides = array<i32>} : memref<128x128xf32, #tpu.memory_space<vmem>>, vector<1x16xf32>,
        %get3A_1019 = vector.shape_cast %get3A_1018 : vector<1x16xf32> to vector<16xf32>
        %add3A_1020 = arith.constant 16 : i32
        %add3A_1021 = arith.addi %mul3A_993, %add3A_1020 : i32
        %swap3A_1022 = arith.index_cast %add3A_1021 : i32 to index
        %swap3A_1023 = tpu.vector_load %arg8[%swap3A_1022] {strides = array<i32>} : memref<65536xf32, #tpu.memory_space<vmem>>, vector<16xf32>,
        %swap3A_1024 = vector.shape_cast %swap3A_1023 : vector<16xf32> to vector<16xf32>
        %swap3A_1025 = vector.shape_cast %get3A_1019 : vector<16xf32> to vector<16xf32>
        tpu.vector_store %arg8[%swap3A_1022], %swap3A_1025 {add = true, strides = array<i32>} : memref<65536xf32, #tpu.memory_space<vmem>>, vector<16xf32>,
        %mul3A_1026 = arith.constant 64 : i32
        %mul3A_1027 = arith.muli %select_n3A_70, %mul3A_1026 : i32
        %add3A_1028 = arith.constant 32 : i32
        %add3A_1029 = arith.addi %mul3A_1027, %add3A_1028 : i32
        %get3A_1030 = arith.index_cast %add3A_997 : i32 to index
        %get3A_1031 = arith.index_cast %add3A_1029 : i32 to index
        %get3A_1032 = tpu.vector_load %arg7[%get3A_1030, %get3A_1031] {strides = array<i32>} : memref<128x128xf32, #tpu.memory_space<vmem>>, vector<1x16xf32>,
        %get3A_1033 = vector.shape_cast %get3A_1032 : vector<1x16xf32> to vector<16xf32>
        %add3A_1034 = arith.constant 32 : i32
        %add3A_1035 = arith.addi %mul3A_993, %add3A_1034 : i32
        %swap3A_1036 = arith.index_cast %add3A_1035 : i32 to index
        %swap3A_1037 = tpu.vector_load %arg8[%swap3A_1036] {strides = array<i32>} : memref<65536xf32, #tpu.memory_space<vmem>>, vector<16xf32>,
        %swap3A_1038 = vector.shape_cast %swap3A_1037 : vector<16xf32> to vector<16xf32>
        %swap3A_1039 = vector.shape_cast %get3A_1033 : vector<16xf32> to vector<16xf32>
        tpu.vector_store %arg8[%swap3A_1036], %swap3A_1039 {add = true, strides = array<i32>} : memref<65536xf32, #tpu.memory_space<vmem>>, vector<16xf32>,
        %mul3A_1040 = arith.constant 64 : i32
        %mul3A_1041 = arith.muli %select_n3A_70, %mul3A_1040 : i32
        %add3A_1042 = arith.constant 48 : i32
        %add3A_1043 = arith.addi %mul3A_1041, %add3A_1042 : i32
        %get3A_1044 = arith.index_cast %add3A_997 : i32 to index
        %get3A_1045 = arith.index_cast %add3A_1043 : i32 to index
        %get3A_1046 = tpu.vector_load %arg7[%get3A_1044, %get3A_1045] {strides = array<i32>} : memref<128x128xf32, #tpu.memory_space<vmem>>, vector<1x16xf32>,
        %get3A_1047 = vector.shape_cast %get3A_1046 : vector<1x16xf32> to vector<16xf32>
        %add3A_1048 = arith.constant 48 : i32
        %add3A_1049 = arith.addi %mul3A_993, %add3A_1048 : i32
        %swap3A_1050 = arith.index_cast %add3A_1049 : i32 to index
        %swap3A_1051 = tpu.vector_load %arg8[%swap3A_1050] {strides = array<i32>} : memref<65536xf32, #tpu.memory_space<vmem>>, vector<16xf32>,
        %swap3A_1052 = vector.shape_cast %swap3A_1051 : vector<16xf32> to vector<16xf32>
        %swap3A_1053 = vector.shape_cast %get3A_1047 : vector<16xf32> to vector<16xf32>
        tpu.vector_store %arg8[%swap3A_1050], %swap3A_1053 {add = true, strides = array<i32>} : memref<65536xf32, #tpu.memory_space<vmem>>, vector<16xf32>,
        %slice3A_1054 = vector.extract_strided_slice %get3A_96 {offsets = [15], sizes = [1], strides = [1]} : vector<16xi32> to vector<1xi32>
        %squeeze3A_1055 = vector.extract %slice3A_1054[0] : i32 from vector<1xi32>
        %mul3A_1056 = arith.constant 64 : i32
        %mul3A_1057 = arith.muli %squeeze3A_1055, %mul3A_1056 : i32
        %mul3A_1058 = arith.constant 16 : i32
        %mul3A_1059 = arith.muli %scan3A_91, %mul3A_1058 : i32
        %add3A_1060 = arith.constant 15 : i32
        %add3A_1061 = arith.addi %mul3A_1059, %add3A_1060 : i32
        %mul3A_1062 = arith.constant 64 : i32
        %mul3A_1063 = arith.muli %select_n3A_70, %mul3A_1062 : i32
        %add3A_1064 = arith.constant 0 : i32
        %add3A_1065 = arith.addi %mul3A_1063, %add3A_1064 : i32
        %get3A_1066 = arith.index_cast %add3A_1061 : i32 to index
        %get3A_1067 = arith.index_cast %add3A_1065 : i32 to index
        %get3A_1068 = tpu.vector_load %arg7[%get3A_1066, %get3A_1067] {strides = array<i32>} : memref<128x128xf32, #tpu.memory_space<vmem>>, vector<1x16xf32>,
        %get3A_1069 = vector.shape_cast %get3A_1068 : vector<1x16xf32> to vector<16xf32>
        %add3A_1070 = arith.constant 0 : i32
        %add3A_1071 = arith.addi %mul3A_1057, %add3A_1070 : i32
        %swap3A_1072 = arith.index_cast %add3A_1071 : i32 to index
        %swap3A_1073 = tpu.vector_load %arg8[%swap3A_1072] {strides = array<i32>} : memref<65536xf32, #tpu.memory_space<vmem>>, vector<16xf32>,
        %swap3A_1074 = vector.shape_cast %swap3A_1073 : vector<16xf32> to vector<16xf32>
        %swap3A_1075 = vector.shape_cast %get3A_1069 : vector<16xf32> to vector<16xf32>
        tpu.vector_store %arg8[%swap3A_1072], %swap3A_1075 {add = true, strides = array<i32>} : memref<65536xf32, #tpu.memory_space<vmem>>, vector<16xf32>,
        %mul3A_1076 = arith.constant 64 : i32
        %mul3A_1077 = arith.muli %select_n3A_70, %mul3A_1076 : i32
        %add3A_1078 = arith.constant 16 : i32
        %add3A_1079 = arith.addi %mul3A_1077, %add3A_1078 : i32
        %get3A_1080 = arith.index_cast %add3A_1061 : i32 to index
        %get3A_1081 = arith.index_cast %add3A_1079 : i32 to index
        %get3A_1082 = tpu.vector_load %arg7[%get3A_1080, %get3A_1081] {strides = array<i32>} : memref<128x128xf32, #tpu.memory_space<vmem>>, vector<1x16xf32>,
        %get3A_1083 = vector.shape_cast %get3A_1082 : vector<1x16xf32> to vector<16xf32>
        %add3A_1084 = arith.constant 16 : i32
        %add3A_1085 = arith.addi %mul3A_1057, %add3A_1084 : i32
        %swap3A_1086 = arith.index_cast %add3A_1085 : i32 to index
        %swap3A_1087 = tpu.vector_load %arg8[%swap3A_1086] {strides = array<i32>} : memref<65536xf32, #tpu.memory_space<vmem>>, vector<16xf32>,
        %swap3A_1088 = vector.shape_cast %swap3A_1087 : vector<16xf32> to vector<16xf32>
        %swap3A_1089 = vector.shape_cast %get3A_1083 : vector<16xf32> to vector<16xf32>
        tpu.vector_store %arg8[%swap3A_1086], %swap3A_1089 {add = true, strides = array<i32>} : memref<65536xf32, #tpu.memory_space<vmem>>, vector<16xf32>,
        %mul3A_1090 = arith.constant 64 : i32
        %mul3A_1091 = arith.muli %select_n3A_70, %mul3A_1090 : i32
        %add3A_1092 = arith.constant 32 : i32
        %add3A_1093 = arith.addi %mul3A_1091, %add3A_1092 : i32
        %get3A_1094 = arith.index_cast %add3A_1061 : i32 to index
        %get3A_1095 = arith.index_cast %add3A_1093 : i32 to index
        %get3A_1096 = tpu.vector_load %arg7[%get3A_1094, %get3A_1095] {strides = array<i32>} : memref<128x128xf32, #tpu.memory_space<vmem>>, vector<1x16xf32>,
        %get3A_1097 = vector.shape_cast %get3A_1096 : vector<1x16xf32> to vector<16xf32>
        %add3A_1098 = arith.constant 32 : i32
        %add3A_1099 = arith.addi %mul3A_1057, %add3A_1098 : i32
        %swap3A_1100 = arith.index_cast %add3A_1099 : i32 to index
        %swap3A_1101 = tpu.vector_load %arg8[%swap3A_1100] {strides = array<i32>} : memref<65536xf32, #tpu.memory_space<vmem>>, vector<16xf32>,
        %swap3A_1102 = vector.shape_cast %swap3A_1101 : vector<16xf32> to vector<16xf32>
        %swap3A_1103 = vector.shape_cast %get3A_1097 : vector<16xf32> to vector<16xf32>
        tpu.vector_store %arg8[%swap3A_1100], %swap3A_1103 {add = true, strides = array<i32>} : memref<65536xf32, #tpu.memory_space<vmem>>, vector<16xf32>,
        %mul3A_1104 = arith.constant 64 : i32
        %mul3A_1105 = arith.muli %select_n3A_70, %mul3A_1104 : i32
        %add3A_1106 = arith.constant 48 : i32
        %add3A_1107 = arith.addi %mul3A_1105, %add3A_1106 : i32
        %get3A_1108 = arith.index_cast %add3A_1061 : i32 to index
        %get3A_1109 = arith.index_cast %add3A_1107 : i32 to index
        %get3A_1110 = tpu.vector_load %arg7[%get3A_1108, %get3A_1109] {strides = array<i32>} : memref<128x128xf32, #tpu.memory_space<vmem>>, vector<1x16xf32>,
        %get3A_1111 = vector.shape_cast %get3A_1110 : vector<1x16xf32> to vector<16xf32>
        %add3A_1112 = arith.constant 48 : i32
        %add3A_1113 = arith.addi %mul3A_1057, %add3A_1112 : i32
        %swap3A_1114 = arith.index_cast %add3A_1113 : i32 to index
        %swap3A_1115 = tpu.vector_load %arg8[%swap3A_1114] {strides = array<i32>} : memref<65536xf32, #tpu.memory_space<vmem>>, vector<16xf32>,
        %swap3A_1116 = vector.shape_cast %swap3A_1115 : vector<16xf32> to vector<16xf32>
        %swap3A_1117 = vector.shape_cast %get3A_1111 : vector<16xf32> to vector<16xf32>
        tpu.vector_store %arg8[%swap3A_1114], %swap3A_1117 {add = true, strides = array<i32>} : memref<65536xf32, #tpu.memory_space<vmem>>, vector<16xf32>,
      }
      %scan3A_90 = arith.constant 8 : i32
    }
    %scan3A_77 = arith.constant 16 : i32
    "tpu.region"() ({
      %run_scoped3A = tpu.sem_alloc : memref<!tpu.dma_semaphore, #tpu.memory_space<semaphore_mem>>
      %dma_start3A = arith.constant 0 : i32
      %dma_start3A_78 = arith.constant 0 : i32
      %dma_start3A_79 = tpu.memref_slice %arg5[%select_n3A, %dma_start3A, %dma_start3A_78] : memref<8x4x65536xf32, #tpu.memory_space<hbm>> -> memref<1x4x65536xf32, #tpu.memory_space<hbm>>
      %dma_start3A_80 = tpu.memref_squeeze %dma_start3A_79 : memref<1x4x65536xf32, #tpu.memory_space<hbm>> -> memref<4x65536xf32, #tpu.memory_space<hbm>>
      %dma_start3A_81 = arith.constant 0 : i32
      %dma_start3A_82 = tpu.memref_slice %dma_start3A_80[%select_n3A_30, %dma_start3A_81] : memref<4x65536xf32, #tpu.memory_space<hbm>> -> memref<1x65536xf32, #tpu.memory_space<hbm>>
      %dma_start3A_83 = tpu.memref_squeeze %dma_start3A_82 : memref<1x65536xf32, #tpu.memory_space<hbm>> -> memref<65536xf32, #tpu.memory_space<hbm>>
      %dma_start3A_84 = arith.constant 0 : i32
      %dma_start3A_85 = arith.constant 0 : i32
      %dma_start3A_86 = tpu.memref_slice %arg5[%select_n3A, %dma_start3A_84, %dma_start3A_85] : memref<8x4x65536xf32, #tpu.memory_space<hbm>> -> memref<1x4x65536xf32, #tpu.memory_space<hbm>>
      %dma_start3A_87 = tpu.memref_squeeze %dma_start3A_86 : memref<1x4x65536xf32, #tpu.memory_space<hbm>> -> memref<4x65536xf32, #tpu.memory_space<hbm>>
      %dma_start3A_88 = arith.constant 0 : i32
      %dma_start3A_89 = tpu.memref_slice %dma_start3A_87[%select_n3A_30, %dma_start3A_88] : memref<4x65536xf32, #tpu.memory_space<hbm>> -> memref<1x65536xf32, #tpu.memory_space<hbm>>
      %dma_start3A_90 = tpu.memref_squeeze %dma_start3A_89 : memref<1x65536xf32, #tpu.memory_space<hbm>> -> memref<65536xf32, #tpu.memory_space<hbm>>
      tpu.enqueue_dma source(%arg8 : memref<65536xf32, #tpu.memory_space<vmem>>) target(%dma_start3A_90 : memref<65536xf32, #tpu.memory_space<hbm>>) target_semaphore(%run_scoped3A : memref<!tpu.dma_semaphore, #tpu.memory_space<semaphore_mem>>)
      %dma_wait3A = arith.constant 0 : i32
      %dma_wait3A_91 = arith.constant 0 : i32
      %dma_wait3A_92 = tpu.memref_slice %arg5[%select_n3A, %dma_wait3A, %dma_wait3A_91] : memref<8x4x65536xf32, #tpu.memory_space<hbm>> -> memref<1x4x65536xf32, #tpu.memory_space<hbm>>
      %dma_wait3A_93 = tpu.memref_squeeze %dma_wait3A_92 : memref<1x4x65536xf32, #tpu.memory_space<hbm>> -> memref<4x65536xf32, #tpu.memory_space<hbm>>
      %dma_wait3A_94 = arith.constant 0 : i32
      %dma_wait3A_95 = tpu.memref_slice %dma_wait3A_93[%select_n3A_30, %dma_wait3A_94] : memref<4x65536xf32, #tpu.memory_space<hbm>> -> memref<1x65536xf32, #tpu.memory_space<hbm>>
      %dma_wait3A_96 = tpu.memref_squeeze %dma_wait3A_95 : memref<1x65536xf32, #tpu.memory_space<hbm>> -> memref<65536xf32, #tpu.memory_space<hbm>>
      %dma_wait3A_97 = arith.constant 0 : i32
      %dma_wait3A_98 = arith.constant 0 : i32
      %dma_wait3A_99 = tpu.memref_slice %arg5[%select_n3A, %dma_wait3A_97, %dma_wait3A_98] : memref<8x4x65536xf32, #tpu.memory_space<hbm>> -> memref<1x4x65536xf32, #tpu.memory_space<hbm>>
      %dma_wait3A_100 = tpu.memref_squeeze %dma_wait3A_99 : memref<1x4x65536xf32, #tpu.memory_space<hbm>> -> memref<4x65536xf32, #tpu.memory_space<hbm>>
      %dma_wait3A_101 = arith.constant 0 : i32
      %dma_wait3A_102 = tpu.memref_slice %dma_wait3A_100[%select_n3A_30, %dma_wait3A_101] : memref<4x65536xf32, #tpu.memory_space<hbm>> -> memref<1x65536xf32, #tpu.memory_space<hbm>>
      %dma_wait3A_103 = tpu.memref_squeeze %dma_wait3A_102 : memref<1x65536xf32, #tpu.memory_space<hbm>> -> memref<65536xf32, #tpu.memory_space<hbm>>
      tpu.wait_dma2 semaphore(%run_scoped3A : memref<!tpu.dma_semaphore, #tpu.memory_space<semaphore_mem>>) src(%arg8 : memref<65536xf32, #tpu.memory_space<vmem>>) dst(%dma_wait3A_103 : memref<65536xf32, #tpu.memory_space<hbm>>)
      tpu.yield
    }) : () -> ()
    return
  }
}

module attributes {stable_mosaic.version = 14 : i64} {
  func.func @_assign_body(%arg0: i32, %arg1: memref<512x256xf32, #tpu.memory_space<vmem>>, %arg2: memref<8x4x1024x64xf32, #tpu.memory_space<vmem>>, %arg3: memref<1024x128xf32, #tpu.memory_space<vmem>>, %arg4: memref<1x1x512xi32, #tpu.memory_space<vmem>>, %arg5: memref<1024x128xf32, #tpu.memory_space<vmem>>, %arg6: memref<1024x256xf32, #tpu.memory_space<vmem>>, %arg7: memref<1024x128xf32, #tpu.memory_space<vmem>>) attributes {dimension_semantics = [#tpu.dimension_semantics<arbitrary>], iteration_bounds = array<i64: 32>, scalar_prefetch = 0 : i64, scratch_operands = 2 : i64, tpu.core_type = #tpu.core_type<tc>, window_params = [{transform_indices = @transform_0, window_bounds = array<i64: 512, 256>}, {pipeline_mode = #tpu.pipeline_mode<synchronous>, transform_indices = @transform_1, window_bounds = array<i64: 8, 4, 1024, 64>}, {pipeline_mode = #tpu.pipeline_mode<synchronous>, transform_indices = @transform_2, window_bounds = array<i64: 1024, 128>}, {transform_indices = @transform_3, window_bounds = array<i64: 1, 1, 512>}, {pipeline_mode = #tpu.pipeline_mode<synchronous>, transform_indices = @transform_4, window_bounds = array<i64: 1024, 128>}]} {
    %get3A = arith.constant 0 : index
    %get3A_0 = arith.constant 0 : index
    %get3A_1 = vector.load %arg1[%get3A, %get3A_0] : memref<512x256xf32, #tpu.memory_space<vmem>>, vector<512x256xf32>
    %eq3A = arith.constant 0 : i32
    %eq3A_2 = arith.cmpi eq, %arg0, %eq3A : i32
    %convert_element_type3A = arith.extui %eq3A_2 : i1 to i32
    %cond3A = arith.constant 0 : i32
    %cond3A_3 = arith.cmpi ne, %convert_element_type3A, %cond3A : i32
    scf.if %cond3A_3 {
      %get3A_43 = arith.constant 0 : index
      %get3A_44 = arith.constant 0 : index
      %get3A_45 = arith.constant 0 : index
      %get3A_46 = arith.constant 0 : index
      %get3A_47 = vector.load %arg2[%get3A_43, %get3A_44, %get3A_45, %get3A_46] : memref<8x4x1024x64xf32, #tpu.memory_space<vmem>>, vector<8x4x1024x64xf32>
      %slice3A = vector.extract_strided_slice %get3A_47 {offsets = [0, 0, 0, 0], sizes = [1, 4, 1024, 64], strides = [1, 1, 1, 1]} : vector<8x4x1024x64xf32> to vector<1x4x1024x64xf32>
      %squeeze3A = vector.shape_cast %slice3A : vector<1x4x1024x64xf32> to vector<4x1024x64xf32>
      %slice3A_48 = vector.extract_strided_slice %get3A_47 {offsets = [1, 0, 0, 0], sizes = [1, 4, 1024, 64], strides = [1, 1, 1, 1]} : vector<8x4x1024x64xf32> to vector<1x4x1024x64xf32>
      %squeeze3A_49 = vector.shape_cast %slice3A_48 : vector<1x4x1024x64xf32> to vector<4x1024x64xf32>
      %add3A_50 = arith.addf %squeeze3A, %squeeze3A_49 : vector<4x1024x64xf32>
      %slice3A_51 = vector.extract_strided_slice %get3A_47 {offsets = [2, 0, 0, 0], sizes = [1, 4, 1024, 64], strides = [1, 1, 1, 1]} : vector<8x4x1024x64xf32> to vector<1x4x1024x64xf32>
      %squeeze3A_52 = vector.shape_cast %slice3A_51 : vector<1x4x1024x64xf32> to vector<4x1024x64xf32>
      %slice3A_53 = vector.extract_strided_slice %get3A_47 {offsets = [3, 0, 0, 0], sizes = [1, 4, 1024, 64], strides = [1, 1, 1, 1]} : vector<8x4x1024x64xf32> to vector<1x4x1024x64xf32>
      %squeeze3A_54 = vector.shape_cast %slice3A_53 : vector<1x4x1024x64xf32> to vector<4x1024x64xf32>
      %add3A_55 = arith.addf %squeeze3A_52, %squeeze3A_54 : vector<4x1024x64xf32>
      %add3A_56 = arith.addf %add3A_50, %add3A_55 : vector<4x1024x64xf32>
      %slice3A_57 = vector.extract_strided_slice %get3A_47 {offsets = [4, 0, 0, 0], sizes = [1, 4, 1024, 64], strides = [1, 1, 1, 1]} : vector<8x4x1024x64xf32> to vector<1x4x1024x64xf32>
      %squeeze3A_58 = vector.shape_cast %slice3A_57 : vector<1x4x1024x64xf32> to vector<4x1024x64xf32>
      %slice3A_59 = vector.extract_strided_slice %get3A_47 {offsets = [5, 0, 0, 0], sizes = [1, 4, 1024, 64], strides = [1, 1, 1, 1]} : vector<8x4x1024x64xf32> to vector<1x4x1024x64xf32>
      %squeeze3A_60 = vector.shape_cast %slice3A_59 : vector<1x4x1024x64xf32> to vector<4x1024x64xf32>
      %add3A_61 = arith.addf %squeeze3A_58, %squeeze3A_60 : vector<4x1024x64xf32>
      %slice3A_62 = vector.extract_strided_slice %get3A_47 {offsets = [6, 0, 0, 0], sizes = [1, 4, 1024, 64], strides = [1, 1, 1, 1]} : vector<8x4x1024x64xf32> to vector<1x4x1024x64xf32>
      %squeeze3A_63 = vector.shape_cast %slice3A_62 : vector<1x4x1024x64xf32> to vector<4x1024x64xf32>
      %slice3A_64 = vector.extract_strided_slice %get3A_47 {offsets = [7, 0, 0, 0], sizes = [1, 4, 1024, 64], strides = [1, 1, 1, 1]} : vector<8x4x1024x64xf32> to vector<1x4x1024x64xf32>
      %squeeze3A_65 = vector.shape_cast %slice3A_64 : vector<1x4x1024x64xf32> to vector<4x1024x64xf32>
      %add3A_66 = arith.addf %squeeze3A_63, %squeeze3A_65 : vector<4x1024x64xf32>
      %add3A_67 = arith.addf %add3A_61, %add3A_66 : vector<4x1024x64xf32>
      %add3A_68 = arith.addf %add3A_56, %add3A_67 : vector<4x1024x64xf32>
      %slice3A_69 = vector.extract_strided_slice %add3A_68 {offsets = [0, 0, 0], sizes = [1, 1024, 64], strides = [1, 1, 1]} : vector<4x1024x64xf32> to vector<1x1024x64xf32>
      %squeeze3A_70 = vector.shape_cast %slice3A_69 : vector<1x1024x64xf32> to vector<1024x64xf32>
      %slice3A_71 = vector.extract_strided_slice %add3A_68 {offsets = [1, 0, 0], sizes = [1, 1024, 64], strides = [1, 1, 1]} : vector<4x1024x64xf32> to vector<1x1024x64xf32>
      %squeeze3A_72 = vector.shape_cast %slice3A_71 : vector<1x1024x64xf32> to vector<1024x64xf32>
      %slice3A_73 = vector.extract_strided_slice %add3A_68 {offsets = [2, 0, 0], sizes = [1, 1024, 64], strides = [1, 1, 1]} : vector<4x1024x64xf32> to vector<1x1024x64xf32>
      %squeeze3A_74 = vector.shape_cast %slice3A_73 : vector<1x1024x64xf32> to vector<1024x64xf32>
      %slice3A_75 = vector.extract_strided_slice %add3A_68 {offsets = [3, 0, 0], sizes = [1, 1024, 64], strides = [1, 1, 1]} : vector<4x1024x64xf32> to vector<1x1024x64xf32>
      %squeeze3A_76 = vector.shape_cast %slice3A_75 : vector<1x1024x64xf32> to vector<1024x64xf32>
      %concatenate3A = tpu.concatenate %squeeze3A_70, %squeeze3A_72, %squeeze3A_74, %squeeze3A_76 in 1 : vector<1024x64xf32>, vector<1024x64xf32>, vector<1024x64xf32>, vector<1024x64xf32> -> vector<1024x256xf32>
      %get3A_77 = arith.constant 0 : index
      %get3A_78 = arith.constant 0 : index
      %get3A_79 = vector.load %arg3[%get3A_77, %get3A_78] : memref<1024x128xf32, #tpu.memory_space<vmem>>, vector<1024x1xf32>
      %gt3A = arith.constant 0.000000e+00 : f32
      %gt3A_80 = vector.broadcast %gt3A : f32 to vector<1024x1xf32>
      %gt3A_81 = arith.cmpf ogt, %get3A_79, %gt3A_80 : vector<1024x1xf32>
      %max3A = arith.constant 1.000000e+00 : f32
      %max3A_82 = vector.broadcast %max3A : f32 to vector<1024x1xf32>
      %max3A_83 = arith.maximumf %get3A_79, %max3A_82 : vector<1024x1xf32>
      %div3A = vector.broadcast %max3A_83 : vector<1024x1xf32> to vector<1024x256xf32>
      %div3A_84 = arith.divf %concatenate3A, %div3A : vector<1024x256xf32>
      %jit3A = arith.constant 0.000000e+00 : f32
      %broadcast_in_dim3A_85 = vector.shape_cast %gt3A_81 : vector<1024x1xi1> to vector<1024x1xi1>
      %broadcast_in_dim3A_86 = vector.broadcast %broadcast_in_dim3A_85 : vector<1024x1xi1> to vector<1024x256xi1>
      %broadcast_in_dim3A_87 = vector.broadcast %jit3A : f32 to vector<1024x256xf32>
      %select_n3A = arith.select %broadcast_in_dim3A_86, %div3A_84, %broadcast_in_dim3A_87 : vector<1024x256xi1>, vector<1024x256xf32>
      %swap3A_88 = arith.constant 0 : index
      %swap3A_89 = arith.constant 0 : index
      %swap3A_90 = vector.load %arg6[%swap3A_88, %swap3A_89] : memref<1024x256xf32, #tpu.memory_space<vmem>>, vector<1024x256xf32>
      tpu.vector_store %arg6[%swap3A_88, %swap3A_89], %select_n3A {strides = array<i32>} : memref<1024x256xf32, #tpu.memory_space<vmem>>, vector<1024x256xf32>,
      %broadcast_in_dim3A_91 = arith.constant 0.000000e+00 : f32
      %broadcast_in_dim3A_92 = vector.broadcast %broadcast_in_dim3A_91 : f32 to vector<1024x128xf32>
      %swap3A_93 = arith.constant 0 : index
      %swap3A_94 = arith.constant 0 : index
      %swap3A_95 = vector.load %arg7[%swap3A_93, %swap3A_94] : memref<1024x128xf32, #tpu.memory_space<vmem>>, vector<1024x128xf32>
      tpu.vector_store %arg7[%swap3A_93, %swap3A_94], %broadcast_in_dim3A_92 {strides = array<i32>} : memref<1024x128xf32, #tpu.memory_space<vmem>>, vector<1024x128xf32>,
    } else {
    }
    %get3A_4 = arith.constant 0 : index
    %get3A_5 = arith.constant 0 : index
    %get3A_6 = vector.load %arg6[%get3A_4, %get3A_5] : memref<1024x256xf32, #tpu.memory_space<vmem>>, vector<1024x256xf32>
    %mul3A = arith.mulf %get3A_1, %get3A_1 : vector<512x256xf32>
    %reduce_sum3A = arith.constant dense<0.000000e+00> : vector<512xf32>
    %reduce_sum3A_7 = vector.multi_reduction <add>, %mul3A, %reduce_sum3A [1] : vector<512x256xf32> to vector<512xf32>
    %broadcast_in_dim3A = vector.shape_cast %reduce_sum3A_7 : vector<512xf32> to vector<512x1xf32>
    %broadcast_in_dim3A_8 = arith.constant 1.000000e+00 : f32
    %broadcast_in_dim3A_9 = vector.broadcast %broadcast_in_dim3A_8 : f32 to vector<1x256xf32>
    %mul3A_10 = arith.mulf %get3A_6, %get3A_6 : vector<1024x256xf32>
    %dot_general3A = arith.constant dense<0.000000e+00> : vector<1x1024xf32>
    %dot_general3A_11 = tpu.matmul %broadcast_in_dim3A_9, %mul3A_10, %dot_general3A {dimension_numbers = #tpu.dot_dimension_numbers<[1], [1], [0], [0], [0, 0, 1, 0], [], []>, precision = #tpu.contract_precision<fp32>, transpose_lhs_hint = false} : vector<1x256xf32>, vector<1024x256xf32>, vector<1x1024xf32> -> vector<1x1024xf32>
    %dot_general3A_12 = arith.constant dense<0.000000e+00> : vector<512x1024xf32>
    %dot_general3A_13 = tpu.matmul %get3A_1, %get3A_6, %dot_general3A_12 {dimension_numbers = #tpu.dot_dimension_numbers<[1], [1], [0], [0], [0, 0, 1, 0], [], []>, transpose_lhs_hint = false} : vector<512x256xf32>, vector<1024x256xf32>, vector<512x1024xf32> -> vector<512x1024xf32>
    %mul3A_14 = arith.constant 2.000000e+00 : f32
    %mul3A_15 = vector.broadcast %mul3A_14 : f32 to vector<512x1024xf32>
    %mul3A_16 = arith.mulf %mul3A_15, %dot_general3A_13 : vector<512x1024xf32>
    %sub3A = vector.broadcast %broadcast_in_dim3A : vector<512x1xf32> to vector<512x1024xf32>
    %sub3A_17 = arith.subf %sub3A, %mul3A_16 : vector<512x1024xf32>
    %add3A = vector.broadcast %dot_general3A_11 : vector<1x1024xf32> to vector<512x1024xf32>
    %add3A_18 = arith.addf %sub3A_17, %add3A : vector<512x1024xf32>
    %argmin3A = tpu.reduce_index %add3A_18 {axis = 1 : i32, kind = #tpu.reduction_kind<arg_min>} : vector<512x1024xf32> -> vector<512xi32>
    %reshape3A = vector.shape_cast %argmin3A : vector<512xi32> to vector<1x1x512xi32>
    %swap3A = arith.constant 0 : index
    %swap3A_19 = arith.constant 0 : index
    %swap3A_20 = arith.constant 0 : index
    %swap3A_21 = vector.load %arg4[%swap3A, %swap3A_19, %swap3A_20] : memref<1x1x512xi32, #tpu.memory_space<vmem>>, vector<1x1x512xi32>
    tpu.vector_store %arg4[%swap3A, %swap3A_19, %swap3A_20], %reshape3A {strides = array<i32>} : memref<1x1x512xi32, #tpu.memory_space<vmem>>, vector<1x1x512xi32>,
    %broadcast_in_dim3A_22 = vector.shape_cast %argmin3A : vector<512xi32> to vector<512x1xi32>
    %iota3A = tpu.iota {dimensions = array<i32: 1>} : vector<512x1024xi32>
    %eq3A_23 = vector.broadcast %broadcast_in_dim3A_22 : vector<512x1xi32> to vector<512x1024xi32>
    %eq3A_24 = arith.cmpi eq, %eq3A_23, %iota3A : vector<512x1024xi32>
    %convert_element_type3A_25 = arith.extui %eq3A_24 : vector<512x1024xi1> to vector<512x1024xi32>
    %convert_element_type3A_26 = arith.sitofp %convert_element_type3A_25 : vector<512x1024xi32> to vector<512x1024xf32>
    %get3A_27 = arith.constant 0 : index
    %get3A_28 = arith.constant 0 : index
    %get3A_29 = vector.load %arg7[%get3A_27, %get3A_28] : memref<1024x128xf32, #tpu.memory_space<vmem>>, vector<1024x128xf32>
    %broadcast_in_dim3A_30 = arith.constant 1.000000e+00 : f32
    %broadcast_in_dim3A_31 = vector.broadcast %broadcast_in_dim3A_30 : f32 to vector<512x128xf32>
    %dot_general3A_32 = arith.constant dense<0.000000e+00> : vector<1024x128xf32>
    %dot_general3A_33 = tpu.matmul %convert_element_type3A_26, %broadcast_in_dim3A_31, %dot_general3A_32 {dimension_numbers = #tpu.dot_dimension_numbers<[0], [0], [1], [1], [0, 1, 1, 1], [], []>, precision = #tpu.contract_precision<fp32>, transpose_lhs_hint = false} : vector<512x1024xf32>, vector<512x128xf32>, vector<1024x128xf32> -> vector<1024x128xf32>
    %add3A_34 = arith.addf %get3A_29, %dot_general3A_33 : vector<1024x128xf32>
    %swap3A_35 = arith.constant 0 : index
    %swap3A_36 = arith.constant 0 : index
    %swap3A_37 = vector.load %arg7[%swap3A_35, %swap3A_36] : memref<1024x128xf32, #tpu.memory_space<vmem>>, vector<1024x128xf32>
    tpu.vector_store %arg7[%swap3A_35, %swap3A_36], %add3A_34 {strides = array<i32>} : memref<1024x128xf32, #tpu.memory_space<vmem>>, vector<1024x128xf32>,
    %eq3A_38 = arith.constant 31 : i32
    %eq3A_39 = arith.cmpi eq, %arg0, %eq3A_38 : i32
    %convert_element_type3A_40 = arith.extui %eq3A_39 : i1 to i32
    %cond3A_41 = arith.constant 0 : i32
    %cond3A_42 = arith.cmpi ne, %convert_element_type3A_40, %cond3A_41 : i32
    scf.if %cond3A_42 {
      %get3A_43 = arith.constant 0 : index
      %get3A_44 = arith.constant 0 : index
      %get3A_45 = vector.load %arg7[%get3A_43, %get3A_44] : memref<1024x128xf32, #tpu.memory_space<vmem>>, vector<1024x128xf32>
      %swap3A_46 = arith.constant 0 : index
      %swap3A_47 = arith.constant 0 : index
      %swap3A_48 = vector.load %arg5[%swap3A_46, %swap3A_47] : memref<1024x128xf32, #tpu.memory_space<vmem>>, vector<1024x128xf32>
      tpu.vector_store %arg5[%swap3A_46, %swap3A_47], %get3A_45 {strides = array<i32>} : memref<1024x128xf32, #tpu.memory_space<vmem>>, vector<1024x128xf32>,
    } else {
    }
    return
  }
  func.func @transform_0(%arg0: i32) -> (i32, i32) {
    %c0_i32 = arith.constant 0 : i32
    %c0_i32_0 = arith.constant 0 : i32
    return %arg0, %c0_i32 : i32, i32
  }
  func.func @transform_1(%arg0: i32) -> (i32, i32, i32, i32) {
    %c0_i32 = arith.constant 0 : i32
    %c0_i32_0 = arith.constant 0 : i32
    %c0_i32_1 = arith.constant 0 : i32
    %c0_i32_2 = arith.constant 0 : i32
    %c0_i32_3 = arith.constant 0 : i32
    return %c0_i32, %c0_i32_0, %c0_i32_1, %c0_i32_2 : i32, i32, i32, i32
  }
  func.func @transform_2(%arg0: i32) -> (i32, i32) {
    %c0_i32 = arith.constant 0 : i32
    %c0_i32_0 = arith.constant 0 : i32
    %c0_i32_1 = arith.constant 0 : i32
    return %c0_i32, %c0_i32_0 : i32, i32
  }
  func.func @transform_3(%arg0: i32) -> (i32, i32, i32) {
    %c0_i32 = arith.constant 0 : i32
    %c0_i32_0 = arith.constant 0 : i32
    %c0_i32_1 = arith.constant 0 : i32
    return %arg0, %c0_i32, %c0_i32_0 : i32, i32, i32
  }
  func.func @transform_4(%arg0: i32) -> (i32, i32) {
    %c0_i32 = arith.constant 0 : i32
    %c0_i32_0 = arith.constant 0 : i32
    %c0_i32_1 = arith.constant 0 : i32
    return %c0_i32, %c0_i32_0 : i32, i32
  }
}

module attributes {stable_mosaic.version = 14 : i64} {
  func.func @_final_body(%arg0: i32, %arg1: memref<512x256xf32, #tpu.memory_space<vmem>>, %arg2: memref<8x4x1024x64xf32, #tpu.memory_space<vmem>>, %arg3: memref<1024x128xf32, #tpu.memory_space<vmem>>, %arg4: memref<1x1x512xi32, #tpu.memory_space<vmem>>, %arg5: memref<512x256xf32, #tpu.memory_space<vmem>>, %arg6: memref<1x1xf32, #tpu.memory_space<smem>>, %arg7: memref<1024x256xf32, #tpu.memory_space<vmem>>, %arg8: memref<1x1xf32, #tpu.memory_space<smem>>) attributes {dimension_semantics = [#tpu.dimension_semantics<arbitrary>], iteration_bounds = array<i64: 32>, scalar_prefetch = 0 : i64, scratch_operands = 2 : i64, tpu.core_type = #tpu.core_type<tc>, window_params = [{transform_indices = @transform_0, window_bounds = array<i64: 512, 256>}, {pipeline_mode = #tpu.pipeline_mode<synchronous>, transform_indices = @transform_1, window_bounds = array<i64: 8, 4, 1024, 64>}, {pipeline_mode = #tpu.pipeline_mode<synchronous>, transform_indices = @transform_2, window_bounds = array<i64: 1024, 128>}, {transform_indices = @transform_3, window_bounds = array<i64: 1, 1, 512>}, {transform_indices = @transform_4, window_bounds = array<i64: 512, 256>}, {transform_indices = @transform_5, window_bounds = array<i64: 1, 1>}]} {
    %get3A = arith.constant 0 : index
    %get3A_0 = arith.constant 0 : index
    %get3A_1 = vector.load %arg1[%get3A, %get3A_0] : memref<512x256xf32, #tpu.memory_space<vmem>>, vector<512x256xf32>
    %eq3A = arith.constant 0 : i32
    %eq3A_2 = arith.cmpi eq, %arg0, %eq3A : i32
    %convert_element_type3A = arith.extui %eq3A_2 : i1 to i32
    %cond3A = arith.constant 0 : i32
    %cond3A_3 = arith.cmpi ne, %convert_element_type3A, %cond3A : i32
    scf.if %cond3A_3 {
      %get3A_34 = arith.constant 0 : index
      %get3A_35 = arith.constant 0 : index
      %get3A_36 = arith.constant 0 : index
      %get3A_37 = arith.constant 0 : index
      %get3A_38 = vector.load %arg2[%get3A_34, %get3A_35, %get3A_36, %get3A_37] : memref<8x4x1024x64xf32, #tpu.memory_space<vmem>>, vector<8x4x1024x64xf32>
      %slice3A = vector.extract_strided_slice %get3A_38 {offsets = [0, 0, 0, 0], sizes = [1, 4, 1024, 64], strides = [1, 1, 1, 1]} : vector<8x4x1024x64xf32> to vector<1x4x1024x64xf32>
      %squeeze3A = vector.shape_cast %slice3A : vector<1x4x1024x64xf32> to vector<4x1024x64xf32>
      %slice3A_39 = vector.extract_strided_slice %get3A_38 {offsets = [1, 0, 0, 0], sizes = [1, 4, 1024, 64], strides = [1, 1, 1, 1]} : vector<8x4x1024x64xf32> to vector<1x4x1024x64xf32>
      %squeeze3A_40 = vector.shape_cast %slice3A_39 : vector<1x4x1024x64xf32> to vector<4x1024x64xf32>
      %add3A_41 = arith.addf %squeeze3A, %squeeze3A_40 : vector<4x1024x64xf32>
      %slice3A_42 = vector.extract_strided_slice %get3A_38 {offsets = [2, 0, 0, 0], sizes = [1, 4, 1024, 64], strides = [1, 1, 1, 1]} : vector<8x4x1024x64xf32> to vector<1x4x1024x64xf32>
      %squeeze3A_43 = vector.shape_cast %slice3A_42 : vector<1x4x1024x64xf32> to vector<4x1024x64xf32>
      %slice3A_44 = vector.extract_strided_slice %get3A_38 {offsets = [3, 0, 0, 0], sizes = [1, 4, 1024, 64], strides = [1, 1, 1, 1]} : vector<8x4x1024x64xf32> to vector<1x4x1024x64xf32>
      %squeeze3A_45 = vector.shape_cast %slice3A_44 : vector<1x4x1024x64xf32> to vector<4x1024x64xf32>
      %add3A_46 = arith.addf %squeeze3A_43, %squeeze3A_45 : vector<4x1024x64xf32>
      %add3A_47 = arith.addf %add3A_41, %add3A_46 : vector<4x1024x64xf32>
      %slice3A_48 = vector.extract_strided_slice %get3A_38 {offsets = [4, 0, 0, 0], sizes = [1, 4, 1024, 64], strides = [1, 1, 1, 1]} : vector<8x4x1024x64xf32> to vector<1x4x1024x64xf32>
      %squeeze3A_49 = vector.shape_cast %slice3A_48 : vector<1x4x1024x64xf32> to vector<4x1024x64xf32>
      %slice3A_50 = vector.extract_strided_slice %get3A_38 {offsets = [5, 0, 0, 0], sizes = [1, 4, 1024, 64], strides = [1, 1, 1, 1]} : vector<8x4x1024x64xf32> to vector<1x4x1024x64xf32>
      %squeeze3A_51 = vector.shape_cast %slice3A_50 : vector<1x4x1024x64xf32> to vector<4x1024x64xf32>
      %add3A_52 = arith.addf %squeeze3A_49, %squeeze3A_51 : vector<4x1024x64xf32>
      %slice3A_53 = vector.extract_strided_slice %get3A_38 {offsets = [6, 0, 0, 0], sizes = [1, 4, 1024, 64], strides = [1, 1, 1, 1]} : vector<8x4x1024x64xf32> to vector<1x4x1024x64xf32>
      %squeeze3A_54 = vector.shape_cast %slice3A_53 : vector<1x4x1024x64xf32> to vector<4x1024x64xf32>
      %slice3A_55 = vector.extract_strided_slice %get3A_38 {offsets = [7, 0, 0, 0], sizes = [1, 4, 1024, 64], strides = [1, 1, 1, 1]} : vector<8x4x1024x64xf32> to vector<1x4x1024x64xf32>
      %squeeze3A_56 = vector.shape_cast %slice3A_55 : vector<1x4x1024x64xf32> to vector<4x1024x64xf32>
      %add3A_57 = arith.addf %squeeze3A_54, %squeeze3A_56 : vector<4x1024x64xf32>
      %add3A_58 = arith.addf %add3A_52, %add3A_57 : vector<4x1024x64xf32>
      %add3A_59 = arith.addf %add3A_47, %add3A_58 : vector<4x1024x64xf32>
      %slice3A_60 = vector.extract_strided_slice %add3A_59 {offsets = [0, 0, 0], sizes = [1, 1024, 64], strides = [1, 1, 1]} : vector<4x1024x64xf32> to vector<1x1024x64xf32>
      %squeeze3A_61 = vector.shape_cast %slice3A_60 : vector<1x1024x64xf32> to vector<1024x64xf32>
      %slice3A_62 = vector.extract_strided_slice %add3A_59 {offsets = [1, 0, 0], sizes = [1, 1024, 64], strides = [1, 1, 1]} : vector<4x1024x64xf32> to vector<1x1024x64xf32>
      %squeeze3A_63 = vector.shape_cast %slice3A_62 : vector<1x1024x64xf32> to vector<1024x64xf32>
      %slice3A_64 = vector.extract_strided_slice %add3A_59 {offsets = [2, 0, 0], sizes = [1, 1024, 64], strides = [1, 1, 1]} : vector<4x1024x64xf32> to vector<1x1024x64xf32>
      %squeeze3A_65 = vector.shape_cast %slice3A_64 : vector<1x1024x64xf32> to vector<1024x64xf32>
      %slice3A_66 = vector.extract_strided_slice %add3A_59 {offsets = [3, 0, 0], sizes = [1, 1024, 64], strides = [1, 1, 1]} : vector<4x1024x64xf32> to vector<1x1024x64xf32>
      %squeeze3A_67 = vector.shape_cast %slice3A_66 : vector<1x1024x64xf32> to vector<1024x64xf32>
      %concatenate3A = tpu.concatenate %squeeze3A_61, %squeeze3A_63, %squeeze3A_65, %squeeze3A_67 in 1 : vector<1024x64xf32>, vector<1024x64xf32>, vector<1024x64xf32>, vector<1024x64xf32> -> vector<1024x256xf32>
      %get3A_68 = arith.constant 0 : index
      %get3A_69 = arith.constant 0 : index
      %get3A_70 = vector.load %arg3[%get3A_68, %get3A_69] : memref<1024x128xf32, #tpu.memory_space<vmem>>, vector<1024x1xf32>
      %gt3A = arith.constant 0.000000e+00 : f32
      %gt3A_71 = vector.broadcast %gt3A : f32 to vector<1024x1xf32>
      %gt3A_72 = arith.cmpf ogt, %get3A_70, %gt3A_71 : vector<1024x1xf32>
      %max3A = arith.constant 1.000000e+00 : f32
      %max3A_73 = vector.broadcast %max3A : f32 to vector<1024x1xf32>
      %max3A_74 = arith.maximumf %get3A_70, %max3A_73 : vector<1024x1xf32>
      %div3A = vector.broadcast %max3A_74 : vector<1024x1xf32> to vector<1024x256xf32>
      %div3A_75 = arith.divf %concatenate3A, %div3A : vector<1024x256xf32>
      %jit3A = arith.constant 0.000000e+00 : f32
      %broadcast_in_dim3A_76 = vector.shape_cast %gt3A_72 : vector<1024x1xi1> to vector<1024x1xi1>
      %broadcast_in_dim3A_77 = vector.broadcast %broadcast_in_dim3A_76 : vector<1024x1xi1> to vector<1024x256xi1>
      %broadcast_in_dim3A_78 = vector.broadcast %jit3A : f32 to vector<1024x256xf32>
      %select_n3A = arith.select %broadcast_in_dim3A_77, %div3A_75, %broadcast_in_dim3A_78 : vector<1024x256xi1>, vector<1024x256xf32>
      %swap3A_79 = arith.constant 0 : index
      %swap3A_80 = arith.constant 0 : index
      %swap3A_81 = vector.load %arg7[%swap3A_79, %swap3A_80] : memref<1024x256xf32, #tpu.memory_space<vmem>>, vector<1024x256xf32>
      tpu.vector_store %arg7[%swap3A_79, %swap3A_80], %select_n3A {strides = array<i32>} : memref<1024x256xf32, #tpu.memory_space<vmem>>, vector<1024x256xf32>,
      %swap3A_82 = arith.constant 0.000000e+00 : f32
      %swap3A_83 = arith.constant 0 : index
      %swap3A_84 = arith.constant 0 : index
      %swap3A_85 = memref.load %arg8[%swap3A_83, %swap3A_84] : memref<1x1xf32, #tpu.memory_space<smem>>
      memref.store %swap3A_82, %arg8[%swap3A_83, %swap3A_84] : memref<1x1xf32, #tpu.memory_space<smem>>
    } else {
    }
    %get3A_4 = arith.constant 0 : index
    %get3A_5 = arith.constant 0 : index
    %get3A_6 = vector.load %arg7[%get3A_4, %get3A_5] : memref<1024x256xf32, #tpu.memory_space<vmem>>, vector<1024x256xf32>
    %get3A_7 = arith.constant 0 : index
    %get3A_8 = arith.constant 0 : index
    %get3A_9 = arith.constant 0 : index
    %get3A_10 = vector.load %arg4[%get3A_7, %get3A_8, %get3A_9] : memref<1x1x512xi32, #tpu.memory_space<vmem>>, vector<1x1x512xi32>
    %get3A_11 = vector.shape_cast %get3A_10 : vector<1x1x512xi32> to vector<512xi32>
    %broadcast_in_dim3A = vector.shape_cast %get3A_11 : vector<512xi32> to vector<512x1xi32>
    %iota3A = tpu.iota {dimensions = array<i32: 1>} : vector<512x1024xi32>
    %eq3A_12 = vector.broadcast %broadcast_in_dim3A : vector<512x1xi32> to vector<512x1024xi32>
    %eq3A_13 = arith.cmpi eq, %eq3A_12, %iota3A : vector<512x1024xi32>
    %convert_element_type3A_14 = arith.extui %eq3A_13 : vector<512x1024xi1> to vector<512x1024xi32>
    %convert_element_type3A_15 = arith.sitofp %convert_element_type3A_14 : vector<512x1024xi32> to vector<512x1024xf32>
    %dot_general3A = arith.constant dense<0.000000e+00> : vector<512x256xf32>
    %dot_general3A_16 = tpu.matmul %convert_element_type3A_15, %get3A_6, %dot_general3A {dimension_numbers = #tpu.dot_dimension_numbers<[1], [0], [0], [1], [0, 0, 1, 1], [], []>, precision = #tpu.contract_precision<fp32>, transpose_lhs_hint = false} : vector<512x1024xf32>, vector<1024x256xf32>, vector<512x256xf32> -> vector<512x256xf32>
    %swap3A = arith.constant 0 : index
    %swap3A_17 = arith.constant 0 : index
    %swap3A_18 = vector.load %arg5[%swap3A, %swap3A_17] : memref<512x256xf32, #tpu.memory_space<vmem>>, vector<512x256xf32>
    tpu.vector_store %arg5[%swap3A, %swap3A_17], %dot_general3A_16 {strides = array<i32>} : memref<512x256xf32, #tpu.memory_space<vmem>>, vector<512x256xf32>,
    %sub3A = arith.subf %get3A_1, %dot_general3A_16 : vector<512x256xf32>
    %get3A_19 = arith.constant 0 : index
    %get3A_20 = arith.constant 0 : index
    %get3A_21 = memref.load %arg8[%get3A_19, %get3A_20] : memref<1x1xf32, #tpu.memory_space<smem>>
    %mul3A = arith.mulf %sub3A, %sub3A : vector<512x256xf32>
    %reduce_sum3A = vector.shape_cast %mul3A : vector<512x256xf32> to vector<1x512x256xf32>
    %reduce_sum3A_22 = arith.constant dense<0.000000e+00> : vector<1xf32>
    %reduce_sum3A_23 = vector.multi_reduction <add>, %reduce_sum3A, %reduce_sum3A_22 [1, 2] : vector<1x512x256xf32> to vector<1xf32>
    %reduce_sum3A_24 = vector.shape_cast %reduce_sum3A_23 : vector<1xf32> to vector<1x1x1xf32>
    %reduce_sum3A_25 = vector.extract %reduce_sum3A_24[0, 0, 0] : f32 from vector<1x1x1xf32>
    %add3A = arith.addf %get3A_21, %reduce_sum3A_25 : f32
    %swap3A_26 = arith.constant 0 : index
    %swap3A_27 = arith.constant 0 : index
    %swap3A_28 = memref.load %arg8[%swap3A_26, %swap3A_27] : memref<1x1xf32, #tpu.memory_space<smem>>
    memref.store %add3A, %arg8[%swap3A_26, %swap3A_27] : memref<1x1xf32, #tpu.memory_space<smem>>
    %eq3A_29 = arith.constant 31 : i32
    %eq3A_30 = arith.cmpi eq, %arg0, %eq3A_29 : i32
    %convert_element_type3A_31 = arith.extui %eq3A_30 : i1 to i32
    %cond3A_32 = arith.constant 0 : i32
    %cond3A_33 = arith.cmpi ne, %convert_element_type3A_31, %cond3A_32 : i32
    scf.if %cond3A_33 {
      %get3A_34 = arith.constant 0 : index
      %get3A_35 = arith.constant 0 : index
      %get3A_36 = memref.load %arg8[%get3A_34, %get3A_35] : memref<1x1xf32, #tpu.memory_space<smem>>
      %swap3A_37 = arith.constant 0 : index
      %swap3A_38 = arith.constant 0 : index
      %swap3A_39 = memref.load %arg6[%swap3A_37, %swap3A_38] : memref<1x1xf32, #tpu.memory_space<smem>>
      memref.store %get3A_36, %arg6[%swap3A_37, %swap3A_38] : memref<1x1xf32, #tpu.memory_space<smem>>
    } else {
    }
    return
  }
  func.func @transform_0(%arg0: i32) -> (i32, i32) {
    %c0_i32 = arith.constant 0 : i32
    %c0_i32_0 = arith.constant 0 : i32
    return %arg0, %c0_i32 : i32, i32
  }
  func.func @transform_1(%arg0: i32) -> (i32, i32, i32, i32) {
    %c0_i32 = arith.constant 0 : i32
    %c0_i32_0 = arith.constant 0 : i32
    %c0_i32_1 = arith.constant 0 : i32
    %c0_i32_2 = arith.constant 0 : i32
    %c0_i32_3 = arith.constant 0 : i32
    return %c0_i32, %c0_i32_0, %c0_i32_1, %c0_i32_2 : i32, i32, i32, i32
  }
  func.func @transform_2(%arg0: i32) -> (i32, i32) {
    %c0_i32 = arith.constant 0 : i32
    %c0_i32_0 = arith.constant 0 : i32
    %c0_i32_1 = arith.constant 0 : i32
    return %c0_i32, %c0_i32_0 : i32, i32
  }
  func.func @transform_3(%arg0: i32) -> (i32, i32, i32) {
    %c0_i32 = arith.constant 0 : i32
    %c0_i32_0 = arith.constant 0 : i32
    %c0_i32_1 = arith.constant 0 : i32
    return %arg0, %c0_i32, %c0_i32_0 : i32, i32, i32
  }
  func.func @transform_4(%arg0: i32) -> (i32, i32) {
    %c0_i32 = arith.constant 0 : i32
    %c0_i32_0 = arith.constant 0 : i32
    return %arg0, %c0_i32 : i32, i32
  }
  func.func @transform_5(%arg0: i32) -> (i32, i32) {
    %c0_i32 = arith.constant 0 : i32
    %c0_i32_0 = arith.constant 0 : i32
    %c0_i32_1 = arith.constant 0 : i32
    return %c0_i32, %c0_i32_0 : i32, i32
  }
}

</mosaic_0001>

<sc_bundles>
// kernel: body.8.cloned.1.call-start
scs
__scs_entry_jumppad:
0x0: {  	(pc) =	sbr.rel $0x88, $3  }
0x1: {  	(tag) =	ssettag $0x0;
	lr =	simm.s32 $0x1  }
0x2: {  	[smem:$0x3F9F] =	sst lr;
	_ =	strace $0xD0000000  }
0x3: {  	_ = 	snop  }
0x4: {  	_ = 	snop  }
0x5: {  	_ = 	snop  }
0x6: {  	_ = 	snop  }
0x7: {  	_ = 	snop  }
__scs_overlays_trampoline_lowered:
0x8: {  	[smem:$0x3FAE] =	sst s0  }
0x9: {  	[smem:$0x3FAF] =	sst s1  }
0xa: {  	[smem:$0x3FB0] =	sst s2  }
0xb: {  	[smem:$0x3FB1] =	sst s3  }
0xc: {  	[smem:$0x3FB2] =	sst s4  }
0xd: {  	[smem:$0x3FB3] =	sst s5  }
0xe: {  	[smem:$0x3FB4] =	sst s6  }
0xf: {  	[smem:$0x3FB5] =	sst s7  }
0x10: {  	[smem:$0x3FB6] =	sst s8  }
0x11: {  	[smem:$0x3FB7] =	sst s9;
	s0 =	simm.s32 @!p0 $0x0  }
0x12: {  	s1 =	sld [smem:$0x3F9D];
	s0 =	simm.s32 @p0 $0x1  }
0x13: {  	[smem:$0x3FB8] =	sst s0;
	s0 =	simm.s32 @!p1 $0x0  }
0x14: {  	s2 =	sld [smem:$0x3F9C];
	s0 =	simm.s32 @p1 $0x1  }
0x15: {  	[smem:$0x3FB9] =	sst s0;
	s0 =	simm.s32 @!p2 $0x0  }
0x16: {  	s3 =	sld [smem:$0x3FDB];
	s0 =	simm.s32 @p2 $0x1  }
0x17: {  	s4 =	simm.s32 $0x1BF5;
	[smem:$0x3FBB] =	sst s0  }
0x18: {  	s0 =	sld [smem:$0x3F9E];
	_ =	swait.ge [sflag:s4], $0x0  }
0x19: {  	s7 =	sld [smem:$0x3F9F]  }
0x1a: {  	s8 =	sadd.s32 $0xFFFFE003, lr  }
0x1b: {  	s9 =	sadd.s32 $0xFFFFFEF7, lr;
	s5 =	simm.s32 $0xFFFFFFFF;
	p2 =	slt.u32 s8, $0xFFFFF086  }
0x1c: {  	p1 =	slt.u32 s9, $0xF7A;
	s5 =	simm.s32 @!p2 $0x0  }
0x1d: {  	s5 =	simm.s32 @p1 $0x1;
	p0 =	seq.s32 s7, s2  }
0x1e: {  	s7 =	smul.u32 @!p0 $0xF7A, s2;
	p2 =	seq.s32 @!p0 s5, $0x0  }
0x1f: {  	s9 =	smul.u32 $0xF7A, s1;
	s8 =	simm.s32 @!p0 $0x1BF5;
	p2 =	por !p2, p0  }
0x20: {  	[sflag:s8] =	ssyncset.s32 @!p0 $0xFFFFF086;
	s6 =	sadd.s32 @!p0 s3, s7;
	s7 =	simm.s32 @!p0 $0x108  }
0x21: {  	s3 =	sadd.s32 s3, s9;
	s6 =	sadd.s32 @!p0 $0x88, s6;
	s7 =	simm.s32 @p2 $0x1082  }
0x22: {  	[simem:s7], [sflag:s8] =	dma.local @!p0 [hbm:s6], $0xF7A  }
0x23: {  	s9 =	sor.u32 $0xD0000000, s2;
	s6 =	simm.s32 $0x108;
	_ =	swait.ge @!p0 [sflag:s8], $0x0  }
0x24: {  	s3 =	sadd.s32 $0x88, s3;
	s6 =	simm.s32 @!p1 $0x1082;
	[sflag:s4] =	ssyncset.s32 $0xFFFFF086  }
0x25: {  	[simem:s6], [sflag:s4] =	dma.local [hbm:s3], $0xF7A  }
0x26: {  	[smem:$0x3F9F] =	sst s1;
	(tag) =	ssettag s2;
	_ =	strace s9  }
0x27: {  	s1 =	sld [smem:$0x3FAF]  }
0x28: {  	s2 =	sld [smem:$0x3FB0]  }
0x29: {  	s4 =	sld [smem:$0x3FB2]  }
0x2a: {  	p0 =	seq.s32 s5, $0x0;
	s5 =	sld [smem:$0x3FB3]  }
0x2b: {  	s6 =	sld [smem:$0x3FB4]  }
0x2c: {  	s7 =	sld [smem:$0x3FB5]  }
0x2d: {  	s3 =	simm.s32 $0x108;
	s8 =	sld [smem:$0x3FB6]  }
0x2e: {  	s3 =	simm.s32 @!p0 $0x1082;
	s9 =	sld [smem:$0x3FB7]  }
0x2f: {  	lr =	sadd.s32 s0, s3;
	s0 =	sld [smem:$0x3FAE]  }
0x30: {  	s3 =	sld [smem:$0x3FB1]  }
0x31: {  	[smem:$0x3FBA] =	sst s10  }
0x32: {  	s10 =	sld [smem:$0x3FB8];
	_ =	sdelay $0x3  }
0x33: {  	p0 =	seq.s32 s10, $0x1;
	s10 =	sld [smem:$0x3FBA];
	_ =	sdelay $0x3  }
0x34: {  	[smem:$0x3FBA] =	sst s10  }
0x35: {  	s10 =	sld [smem:$0x3FB9];
	_ =	sdelay $0x3  }
0x36: {  	p1 =	seq.s32 s10, $0x1;
	s10 =	sld [smem:$0x3FBA];
	_ =	sdelay $0x3  }
0x37: {  	[smem:$0x3FBA] =	sst s10  }
0x38: {  	s10 =	sld [smem:$0x3FBB]  }
0x39: {  	_ = 	snop;
	(pc) =	sbr.ind lr, $3  }
0x3a: {  	_ = 	snop  }
0x3b: {  	_ = 	snop  }
0x3c: {  	p2 =	seq.s32 s10, $0x1;
	s10 =	sld [smem:$0x3FBA]  }
0x3d: {  	_ =	shalt  }
0x3e: {  	_ =	shalt  }
0x3f: {  	_ =	shalt  }
0x40: {  	_ =	shalt  }
0x41: {  	_ =	shalt  }
0x42: {  	_ =	shalt  }
0x43: {  	_ =	shalt  }
0x44: {  	_ =	shalt  }
0x45: {  	_ =	shalt  }
0x46: {  	_ =	shalt  }
0x47: {  	_ =	shalt  }
0x48: {  	_ =	shalt  }
0x49: {  	_ =	shalt  }
0x4a: {  	_ =	shalt  }
0x4b: {  	_ =	shalt  }
0x4c: {  	_ =	shalt  }
0x4d: {  	_ =	shalt  }
0x4e: {  	_ =	shalt  }
0x4f: {  	_ =	shalt  }
0x50: {  	_ =	shalt  }
0x51: {  	_ =	shalt  }
0x52: {  	_ =	shalt  }
0x53: {  	_ =	shalt  }
0x54: {  	_ =	shalt  }
0x55: {  	_ =	shalt  }
0x56: {  	_ =	shalt  }
0x57: {  	_ =	shalt  }
0x58: {  	_ =	shalt  }
0x59: {  	_ =	shalt  }
0x5a: {  	_ =	shalt  }
0x5b: {  	_ =	shalt  }
0x5c: {  	_ =	shalt  }
0x5d: {  	_ =	shalt  }
0x5e: {  	_ =	shalt  }
0x5f: {  	_ =	shalt  }
0x60: {  	_ =	shalt  }
0x61: {  	_ =	shalt  }
0x62: {  	_ =	shalt  }
0x63: {  	_ =	shalt  }
0x64: {  	_ =	shalt  }
0x65: {  	_ =	shalt  }
0x66: {  	_ =	shalt  }
0x67: {  	_ =	shalt  }
0x68: {  	_ =	shalt  }
0x69: {  	_ =	shalt  }
0x6a: {  	_ =	shalt  }
0x6b: {  	_ =	shalt  }
0x6c: {  	_ =	shalt  }
0x6d: {  	_ =	shalt  }
0x6e: {  	_ =	shalt  }
0x6f: {  	_ =	shalt  }
0x70: {  	_ =	shalt  }
0x71: {  	_ =	shalt  }
0x72: {  	_ =	shalt  }
0x73: {  	_ =	shalt  }
0x74: {  	_ =	shalt  }
0x75: {  	_ =	shalt  }
0x76: {  	_ =	shalt  }
0x77: {  	_ =	shalt  }
0x78: {  	_ =	shalt  }
0x79: {  	_ =	shalt  }
0x7a: {  	_ =	shalt  }
0x7b: {  	_ =	shalt  }
0x7c: {  	_ =	shalt  }
0x7d: {  	_ =	shalt  }
0x7e: {  	_ =	shalt  }
0x7f: {  	_ =	shalt  }
0x80: {  	_ =	shalt  }
0x81: {  	_ =	shalt  }
0x82: {  	_ =	shalt  }
0x83: {  	_ =	shalt  }
0x84: {  	_ =	shalt  }
0x85: {  	_ =	shalt  }
0x86: {  	_ =	shalt  }
0x87: {  	_ =	shalt  }
.Lfunc_end0:
.L_simem_size_0:
called_computation_lowered:
.L_overlay_start_0:
0x88: {  	s2 =	sld [smem:$0x3FD9]  }
0x89: {  	s3 =	sld [smem:$0x3FFE];
	_ =	sdelay $0x1  }
0x8a: {  	s1 =	srdreg.scid  }
0x8b: {  	s0 =	sand.u32 $0x1, s1  }
0x8c: {  	s14 =	sshll.u32 s0, $0xA;
	s2 =	sadd.s32 s3, s2  }
0x8d: {  	s2 =	sadd.s32 s2, s14  }
0x8e: {  	[smem:$0x3FC6] =	sst s2  }
0x8f: {  	_ = 	snop  }
0x90: {  	s2 =	sld [smem:$0x3FD0];
	_ =	sdelay $0x2  }
0x91: {  	s4 =	simm.s32 $0xA;
	s5 =	simm.s32 $0x10;
	s15 =	sld [smem:$0x3FC9]  }
0x92: {  	[smem:s5], [sflag:s4] =	dma.local [hbm:s2], $0x1  }
0x93: {  	_ =	swait.eq [sflag:s4], $0x1  }
0x94: {  	[sflag:s4] =	ssyncset.done $0x0  }
0x95: {  	s16 =	sld [smem:$0x10];
	[sflag:s4] =	ssyncadd.s32 $0xFFFFFFFF  }
0x96: {  	s17 =	sld [smem:$0x11];
	(tm) =	ssettm $0x1  }
0x97: {  	s18 =	sld [smem:$0x3FFB];
	_ =	sdelay $0x3  }
0x98: {  	_ =	strace s18  }
0x99: {  	s5 =	sld [smem:$0x3FFC];
	_ =	sdelay $0x3  }
0x9a: {  	_ =	strace s5  }
0x9b: {  	s5 =	sld [smem:$0x3FFD];
	_ =	sdelay $0x3  }
0x9c: {  	_ =	strace s5  }
0x9d: {  	_ =	strace $0x8FFFFFFF  }
0x9e: {  	s19 =	sld [smem:$0x3FDB];
	_ =	sdelay $0x1  }
0x9f: {  	s6 =	simm.s32 $_scs_section_size  }
0xa0: {  	s7 =	simm.s32 $_size__tile_overlayer_lowered;
	s8 =	simm.s32 $_tile_overlayer_lowered  }
0xa1: {  	s22 =	simm.s32 $0x1BFF;
	s21 =	sshll.u32 s8, $0x1;
	s5 =	sadd.s32 s6, s19  }
0xa2: {  	s9 =	simm.s32 $0x0;
	s20 =	sshll.u32 s7, $0x1;
	s7 =	sadd.s32 s21, s5  }
0xa3: {  	[timem:s9], [sflag:s22] =	dma.local [hbm:s7], s20  }
0xa4: {  	_ =	swait.ge [sflag:s22], s20  }
0xa5: {  	s6 =	ssub.s32 $0x0, s20;
	[sflag:s22] =	ssyncset.done $0x0  }
0xa6: {  	[sflag:s22] =	ssyncadd.s32 s6;
	_ =	sdelay $0x1  }
0xa7: {  	s23 =	simm.s32 $0x1B8B  }
0xa8: {  	_ =	swait.ge [sflag:s23], $0x1  }
0xa9: {  	[sflag:s23] =	ssyncset.done $0x0  }
0xaa: {  	s25 =	simm.s32 $0x1B8E;
	s24 =	sld [smem:$0x3FFE];
	[sflag:s23] =	ssyncadd.s32 $0xFFFFFFFF  }
0xab: {  	s26 =	simm.s32 $execute0_lowered;
	[smem:$0x3FD2] =	sst s25  }
0xac: {  	s7 =	sshll.u32 s26, $0x1;
	_ =	strace $0x80000046;
	[dreg:$0x1] =	wrdreg $0xFFFFFFFF  }
0xad: {  	s28 =	simm.s32 $_size_execute0_lowered;
	s5 =	sadd.s32 s5, s7;
	[dreg:$0x0] =	wrdreg $0x0  }
0xae: {  	s7 =	sshll.u32 s28, $0x1;
	[dreg:$0x2] =	wrdreg s5  }
0xaf: {  	[dreg:$0x3] =	wrdreg s7  }
0xb0: {  	[dreg:$0x4] =	wrdreg $0xC0  }
0xb1: {  	_ =	task [dreg:s9], $0x5FFFF  }
0xb2: {  	[dreg:$0x1] =	wrdreg $0xFFFFFFFF  }
0xb3: {  	[dreg:$0x0] =	wrdreg $0x60  }
0xb4: {  	[dreg:$0x2] =	wrdreg s15  }
0xb5: {  	[dreg:$0x3] =	wrdreg s17  }
0xb6: {  	[dreg:$0x4] =	wrdreg s24  }
0xb7: {  	[dreg:$0x5] =	wrdreg s16  }
0xb8: {  	[dreg:$0x6] =	wrdreg $0x9  }
0xb9: {  	_ =	task.clear_ibuf [dreg:s9], $0x7FFFF;
	_ =	strace $0x90000046  }
0xba: {  	s29 =	simm.s32 $0x9;
	_ =	strace $0x80000048  }
0xbb: {  	_ =	swait.ge [sflag:s29], $0x1  }
0xbc: {  	[sflag:s29] =	ssyncadd.s32 $0xFFFFFFFF  }
0xbd: {  	_ =	strace $0x90000048  }
0xbe: {  	_ =	sfence  }
0xbf: {  	s30 =	sld [smem:$0x0];
	_ =	sdelay $0x2  }
0xc0: {  	s31 =	sshll.u32 s1, $0xD;
	s1 =	sshrl.u32 s1, $0x2  }
0xc1: {  	s3 =	sand.u32 $0x4000, s31;
	s1 =	sadd.s32 s1, s30  }
0xc2: {  	s0 =	sor.u32 s3, s0;
	s1 =	sshll.u32 s1, $0x11  }
0xc3: {  	s0 =	sor.u32 s1, s0  }
0xc4: {  	s0 =	sadd.s32 $0x8F2B, s0  }
0xc5: {  	[sflag:s0] =	ssyncadd.remote.s32 $0x1  }
0xc6: {  	_ =	sfence.sel $0xFFFF  }
0xc7: {  	[dreg:$0x0] =	wrdreg $0xFFFFFFFF;
	(pc) =	sbr.abs _section_cstart, $3  }
0xc8: {  	[dreg:$0x1] =	wrdreg $0xFFFFFFFF  }
0xc9: {  	_ =	task.clear_ibuf [dreg:s9], $0x2FFFF;
	_ =	strace $0x9FFFFFFF  }
0xca: {  	(tm) =	ssettm $0x7FFFFFFF  }
0xcb: {  	_ =	shalt  }
tec
execute0_lowered:
.L_overlay_start_1:
0x0: {  	(tag) =	ssettag $0x1  }
0x1: {  	s1 =	rddreg [dreg:$0x0]  }
0x2: {  	s6 =	rddreg [dreg:$0x1]  }
0x3: {  	s3 =	rddreg [dreg:$0x2]  }
0x4: {  	s0 =	srdreg.scid;
	s9 =	rddreg [dreg:$0x3];
	s7 =	simm.s32 $0x1  }
0x5: {  	s15 =	simm.s32 $0x200;
	s5 =	sand.u32 $0x1, s0;
	s0 =	stileid.u32  }
0x6: {  	s16 =	simm.s32 $0x0;
	s2 =	sshll.u32 s5, $0x4;
	s8 =	sand.u32 $0x3, s0  }
0x7: {  	s5 =	ssub.s32 $0x2, s5;
	s28 =	sshll.u32 s0, $0x9;
	s4 =	sor.u32 s0, s2  }
0x8: {  	s30 =	sand.u32 $0x1, s0;
	p1 =	sne.s32 s8, $0x0;
	p0 =	seq.s32 s4, $0x0  }
0x9: {  	s2 =	rddreg [dreg:$0x4];
	s26 =	sshrl.u32 s5, $0x1;
	p0 =	por !p1, !p0  }
0xa: {  	s10 =	sshrl.u32 s4, $0x2;
	s4 =	simm.s32 $0x0;
	p0 =	por !p0, !p0  }
0xb: {  	s14 =	sshll.u32 s8, $0x4;
	[smem:$0x7FF] =	sst s4;
	s7 =	simm.s32 @!p0 $0x0  }
0xc: {  	s31 =	sshll.u32 s30, $0x6;
	_ =	strace $0x80000047;
	s7 =	ssub.s32 s10, s7  }
0xd: {  	s10 =	ssub.s32 s5, s26;
	s5 =	simm.s32 $0x1;
	s11 =	sshll.u32 s7, $0x8  }
0xe: {  	s12 =	sshll.u32 s7, $0x13;
	s13 =	sshll.u32 s7, $0xF;
	s8 =	smax.u32 s10, $0x1  }
0xf: {  	s10 =	simm.s32 $0x4800;
	s11 =	sand.u32 $0x1FFFFF00, s11;
	s29 =	sand.u32 $0x1FFF8000, s13  }
0x10: {  	s6 =	sadd.s32 s6, s11;
	s11 =	sand.u32 $0x400, s28;
	s13 =	sadd.s32 s9, s29  }
0x11: {  	s9 =	sor.u32 $0xC00, s31;
	s7 =	sor.u32 s11, s12;
	s11 =	simm.s32 $0x400  }
0x12: {  	s12 =	simm.s32 $0x800;
	s13 =	sadd.s32 s14, s13;
	s14 =	simm.s32 $0x80  }
.LBB2_1:
0x13: {  	[tilespmem:s10], [sflag:$0x1] =	stream.linear.gather [hbm4b:s3+s4], $0x10000, $0x38;
	[tilespmem:$0x14800] =	vst v63  }
0x14: {  	_ =	swait.ge [sflag:s5], $0x10000  }
0x15: {  	[sflag:s5] =	ssyncset.done $0x0  }
0x16: {  	[sflag:s5] =	ssyncadd.s32 $0xFFFF0000  }
0x17: {  	[tilespmem:s4], [sflag:$0x1] =	stream.linear.gather [hbm4b:s6+s4], $0x800, $0x38;
	[tilespmem:$0x14800] =	vst v63  }
0x18: {  	_ =	swait.ge [sflag:s5], $0x800  }
0x19: {  	[sflag:s5] =	ssyncset.done $0x0  }
0x1a: {  	s17 =	simm.s32 $0x0;
	s18 =	simm.s32 $0x0;
	[sflag:s5] =	ssyncadd.s32 $0xFFFFF800  }
.LBB2_2:
0x1b: {  	s19 =	sshll.u32 s18, $0xF  }
0x1c: {  	s19 =	sadd.s32 s7, s19  }
0x1d: {  	s19 =	sshrl.u32 s19, $0x3  }
0x1e: {  	s19 =	sadd.s32 s1, s19  }
0x1f: {  	v0 =	vmov s17;
	[tilespmem:s12], [sflag:$0x1] =	stream.strided.gather [hbm4b:s19+s11], $0x4000, s12, s11, $0x38;
	[tilespmem:$0x14800] =	vst v63  }
0x20: {  	_ =	swait.ge [sflag:s5], $0x4000  }
0x21: {  	[sflag:s5] =	ssyncset.done $0x0  }
0x22: {  	s20 =	smov.u32 s9;
	s19 =	simm.s32 $0x0;
	[sflag:s5] =	ssyncadd.s32 $0xFFFFC000  }
.LBB2_3:
0x23: {  	s21 =	sshra.s32 s19, $0x2  }
0x24: {  	v1 =	vld.idx.msk [tilespmem:v0+s21+$0x0 ss:$0x1], $0xffff;
	_ =	sdelay $0x4  }
0x25: {  	v1 =	vshll.u32 v1, $0x8  }
0x26: {  	v1 =	vshra.s32 v1, $0x2  }
0x27: {  	(v2sf) =	vpush v1, $0x0;
	_ =	sdelay $0xa  }
0x28: {  	v2 =	vld [tilespmem:s20+$0xFFFFFC00];
	_ =	sdelay $0x3  }
0x29: {  	s24 =	spop (v2sf)  }
0x2a: {  	[tilespmem:s24+$0x4800] =	vst.add.f32.msk $0xffff, v2  }
0x2b: {  	v2 =	vld [tilespmem:s20+$0xFFFFFC10];
	_ =	sdelay $0x4  }
0x2c: {  	[tilespmem:s24+$0x4810] =	vst.add.f32.msk $0xffff, v2  }
0x2d: {  	v2 =	vld [tilespmem:s20+$0xFFFFFC20]  }
0x2e: {  	(v2sf) =	vpush v1, $0x1;
	_ =	sdelay $0x3  }
0x2f: {  	[tilespmem:s24+$0x4820] =	vst.add.f32.msk $0xffff, v2  }
0x30: {  	v2 =	vld [tilespmem:s20+$0xFFFFFC30];
	_ =	sdelay $0x4  }
0x31: {  	[tilespmem:s24+$0x4830] =	vst.add.f32.msk $0xffff, v2  }
0x32: {  	v2 =	vld [tilespmem:s20+$0xFFFFFC80];
	_ =	sdelay $0x3  }
0x33: {  	s25 =	spop (v2sf)  }
0x34: {  	[tilespmem:s25+$0x4800] =	vst.add.f32.msk $0xffff, v2  }
0x35: {  	v2 =	vld [tilespmem:s20+$0xFFFFFC90];
	_ =	sdelay $0x4  }
0x36: {  	[tilespmem:s25+$0x4810] =	vst.add.f32.msk $0xffff, v2  }
0x37: {  	v2 =	vld [tilespmem:s20+$0xFFFFFCA0]  }
0x38: {  	(v2sf) =	vpush v1, $0x2;
	_ =	sdelay $0x3  }
0x39: {  	[tilespmem:s25+$0x4820] =	vst.add.f32.msk $0xffff, v2  }
0x3a: {  	v2 =	vld [tilespmem:s20+$0xFFFFFCB0];
	_ =	sdelay $0x4  }
0x3b: {  	[tilespmem:s25+$0x4830] =	vst.add.f32.msk $0xffff, v2  }
0x3c: {  	v2 =	vld [tilespmem:s20+$0xFFFFFD00];
	_ =	sdelay $0x3  }
0x3d: {  	s26 =	spop (v2sf)  }
0x3e: {  	[tilespmem:s26+$0x4800] =	vst.add.f32.msk $0xffff, v2  }
0x3f: {  	v2 =	vld [tilespmem:s20+$0xFFFFFD10];
	_ =	sdelay $0x4  }
0x40: {  	[tilespmem:s26+$0x4810] =	vst.add.f32.msk $0xffff, v2  }
0x41: {  	v2 =	vld [tilespmem:s20+$0xFFFFFD20]  }
0x42: {  	(v2sf) =	vpush v1, $0x3;
	_ =	sdelay $0x3  }
0x43: {  	[tilespmem:s26+$0x4820] =	vst.add.f32.msk $0xffff, v2  }
0x44: {  	v2 =	vld [tilespmem:s20+$0xFFFFFD30];
	_ =	sdelay $0x4  }
0x45: {  	[tilespmem:s26+$0x4830] =	vst.add.f32.msk $0xffff, v2  }
0x46: {  	v2 =	vld [tilespmem:s20+$0xFFFFFD80];
	_ =	sdelay $0x3  }
0x47: {  	s28 =	spop (v2sf)  }
0x48: {  	[tilespmem:s28+$0x4800] =	vst.add.f32.msk $0xffff, v2  }
0x49: {  	v2 =	vld [tilespmem:s20+$0xFFFFFD90];
	_ =	sdelay $0x4  }
0x4a: {  	[tilespmem:s28+$0x4810] =	vst.add.f32.msk $0xffff, v2  }
0x4b: {  	v2 =	vld [tilespmem:s20+$0xFFFFFDA0]  }
0x4c: {  	(v2sf) =	vpush v1, $0x4;
	_ =	sdelay $0x3  }
0x4d: {  	[tilespmem:s28+$0x4820] =	vst.add.f32.msk $0xffff, v2  }
0x4e: {  	v2 =	vld [tilespmem:s20+$0xFFFFFDB0];
	_ =	sdelay $0x4  }
0x4f: {  	[tilespmem:s28+$0x4830] =	vst.add.f32.msk $0xffff, v2  }
0x50: {  	v2 =	vld [tilespmem:s20+$0xFFFFFE00];
	_ =	sdelay $0x3  }
0x51: {  	s29 =	spop (v2sf)  }
0x52: {  	[tilespmem:s29+$0x4800] =	vst.add.f32.msk $0xffff, v2  }
0x53: {  	v2 =	vld [tilespmem:s20+$0xFFFFFE10];
	_ =	sdelay $0x4  }
0x54: {  	[tilespmem:s29+$0x4810] =	vst.add.f32.msk $0xffff, v2  }
0x55: {  	v2 =	vld [tilespmem:s20+$0xFFFFFE20]  }
0x56: {  	(v2sf) =	vpush v1, $0x5;
	_ =	sdelay $0x3  }
0x57: {  	[tilespmem:s29+$0x4820] =	vst.add.f32.msk $0xffff, v2  }
0x58: {  	v2 =	vld [tilespmem:s20+$0xFFFFFE30];
	_ =	sdelay $0x4  }
0x59: {  	[tilespmem:s29+$0x4830] =	vst.add.f32.msk $0xffff, v2  }
0x5a: {  	v2 =	vld [tilespmem:s20+$0xFFFFFE80];
	_ =	sdelay $0x3  }
0x5b: {  	s30 =	spop (v2sf)  }
0x5c: {  	[tilespmem:s30+$0x4800] =	vst.add.f32.msk $0xffff, v2  }
0x5d: {  	v2 =	vld [tilespmem:s20+$0xFFFFFE90];
	_ =	sdelay $0x4  }
0x5e: {  	[tilespmem:s30+$0x4810] =	vst.add.f32.msk $0xffff, v2  }
0x5f: {  	v2 =	vld [tilespmem:s20+$0xFFFFFEA0]  }
0x60: {  	(v2sf) =	vpush v1, $0x6;
	_ =	sdelay $0x3  }
0x61: {  	[tilespmem:s30+$0x4820] =	vst.add.f32.msk $0xffff, v2  }
0x62: {  	v2 =	vld [tilespmem:s20+$0xFFFFFEB0];
	_ =	sdelay $0x4  }
0x63: {  	[tilespmem:s30+$0x4830] =	vst.add.f32.msk $0xffff, v2  }
0x64: {  	v2 =	vld [tilespmem:s20+$0xFFFFFF00];
	_ =	sdelay $0x3  }
0x65: {  	s31 =	spop (v2sf)  }
0x66: {  	[tilespmem:s31+$0x4800] =	vst.add.f32.msk $0xffff, v2  }
0x67: {  	v2 =	vld [tilespmem:s20+$0xFFFFFF10];
	_ =	sdelay $0x4  }
0x68: {  	[tilespmem:s31+$0x4810] =	vst.add.f32.msk $0xffff, v2  }
0x69: {  	v2 =	vld [tilespmem:s20+$0xFFFFFF20]  }
0x6a: {  	(v2sf) =	vpush v1, $0x7;
	_ =	sdelay $0x3  }
0x6b: {  	[tilespmem:s31+$0x4820] =	vst.add.f32.msk $0xffff, v2  }
0x6c: {  	v2 =	vld [tilespmem:s20+$0xFFFFFF30];
	_ =	sdelay $0x4  }
0x6d: {  	[tilespmem:s31+$0x4830] =	vst.add.f32.msk $0xffff, v2  }
0x6e: {  	v2 =	vld [tilespmem:s20+$0xFFFFFF80];
	_ =	sdelay $0x3  }
0x6f: {  	s22 =	spop (v2sf)  }
0x70: {  	[tilespmem:s22+$0x4800] =	vst.add.f32.msk $0xffff, v2  }
0x71: {  	v2 =	vld [tilespmem:s20+$0xFFFFFF90];
	_ =	sdelay $0x4  }
0x72: {  	[tilespmem:s22+$0x4810] =	vst.add.f32.msk $0xffff, v2  }
0x73: {  	v2 =	vld [tilespmem:s20+$0xFFFFFFA0]  }
0x74: {  	(v2sf) =	vpush v1, $0x8;
	_ =	sdelay $0x3  }
0x75: {  	[tilespmem:s22+$0x4820] =	vst.add.f32.msk $0xffff, v2  }
0x76: {  	v2 =	vld [tilespmem:s20+$0xFFFFFFB0];
	_ =	sdelay $0x4  }
0x77: {  	[tilespmem:s22+$0x4830] =	vst.add.f32.msk $0xffff, v2  }
0x78: {  	v2 =	vld [tilespmem:s20+$0x0];
	_ =	sdelay $0x3  }
0x79: {  	s23 =	spop (v2sf)  }
0x7a: {  	[tilespmem:s23+$0x4800] =	vst.add.f32.msk $0xffff, v2  }
0x7b: {  	v2 =	vld [tilespmem:s20+$0x10];
	_ =	sdelay $0x4  }
0x7c: {  	[tilespmem:s23+$0x4810] =	vst.add.f32.msk $0xffff, v2  }
0x7d: {  	v2 =	vld [tilespmem:s20+$0x20]  }
0x7e: {  	(v2sf) =	vpush v1, $0x9;
	_ =	sdelay $0x3  }
0x7f: {  	[tilespmem:s23+$0x4820] =	vst.add.f32.msk $0xffff, v2  }
0x80: {  	v2 =	vld [tilespmem:s20+$0x30];
	_ =	sdelay $0x4  }
0x81: {  	[tilespmem:s23+$0x4830] =	vst.add.f32.msk $0xffff, v2  }
0x82: {  	v2 =	vld [tilespmem:s20+$0x80];
	_ =	sdelay $0x3  }
0x83: {  	s24 =	spop (v2sf)  }
0x84: {  	[tilespmem:s24+$0x4800] =	vst.add.f32.msk $0xffff, v2  }
0x85: {  	v2 =	vld [tilespmem:s20+$0x90];
	_ =	sdelay $0x4  }
0x86: {  	[tilespmem:s24+$0x4810] =	vst.add.f32.msk $0xffff, v2  }
0x87: {  	v2 =	vld [tilespmem:s20+$0xA0]  }
0x88: {  	(v2sf) =	vpush v1, $0xA;
	_ =	sdelay $0x3  }
0x89: {  	[tilespmem:s24+$0x4820] =	vst.add.f32.msk $0xffff, v2  }
0x8a: {  	v2 =	vld [tilespmem:s20+$0xB0];
	_ =	sdelay $0x4  }
0x8b: {  	[tilespmem:s24+$0x4830] =	vst.add.f32.msk $0xffff, v2  }
0x8c: {  	v2 =	vld [tilespmem:s20+$0x100];
	_ =	sdelay $0x3  }
0x8d: {  	s25 =	spop (v2sf)  }
0x8e: {  	[tilespmem:s25+$0x4800] =	vst.add.f32.msk $0xffff, v2  }
0x8f: {  	v2 =	vld [tilespmem:s20+$0x110];
	_ =	sdelay $0x4  }
0x90: {  	[tilespmem:s25+$0x4810] =	vst.add.f32.msk $0xffff, v2  }
0x91: {  	v2 =	vld [tilespmem:s20+$0x120]  }
0x92: {  	(v2sf) =	vpush v1, $0xB;
	_ =	sdelay $0x3  }
0x93: {  	[tilespmem:s25+$0x4820] =	vst.add.f32.msk $0xffff, v2  }
0x94: {  	v2 =	vld [tilespmem:s20+$0x130];
	_ =	sdelay $0x4  }
0x95: {  	[tilespmem:s25+$0x4830] =	vst.add.f32.msk $0xffff, v2  }
0x96: {  	v2 =	vld [tilespmem:s20+$0x180];
	_ =	sdelay $0x3  }
0x97: {  	s26 =	spop (v2sf)  }
0x98: {  	[tilespmem:s26+$0x4800] =	vst.add.f32.msk $0xffff, v2  }
0x99: {  	v2 =	vld [tilespmem:s20+$0x190];
	_ =	sdelay $0x4  }
0x9a: {  	[tilespmem:s26+$0x4810] =	vst.add.f32.msk $0xffff, v2  }
0x9b: {  	v2 =	vld [tilespmem:s20+$0x1A0]  }
0x9c: {  	(v2sf) =	vpush v1, $0xC;
	_ =	sdelay $0x3  }
0x9d: {  	[tilespmem:s26+$0x4820] =	vst.add.f32.msk $0xffff, v2  }
0x9e: {  	v2 =	vld [tilespmem:s20+$0x1B0];
	_ =	sdelay $0x4  }
0x9f: {  	[tilespmem:s26+$0x4830] =	vst.add.f32.msk $0xffff, v2  }
0xa0: {  	v2 =	vld [tilespmem:s20+$0x200];
	_ =	sdelay $0x3  }
0xa1: {  	s28 =	spop (v2sf)  }
0xa2: {  	[tilespmem:s28+$0x4800] =	vst.add.f32.msk $0xffff, v2  }
0xa3: {  	v2 =	vld [tilespmem:s20+$0x210];
	_ =	sdelay $0x4  }
0xa4: {  	[tilespmem:s28+$0x4810] =	vst.add.f32.msk $0xffff, v2  }
0xa5: {  	v2 =	vld [tilespmem:s20+$0x220]  }
0xa6: {  	(v2sf) =	vpush v1, $0xD;
	_ =	sdelay $0x3  }
0xa7: {  	[tilespmem:s28+$0x4820] =	vst.add.f32.msk $0xffff, v2  }
0xa8: {  	v2 =	vld [tilespmem:s20+$0x230];
	_ =	sdelay $0x4  }
0xa9: {  	[tilespmem:s28+$0x4830] =	vst.add.f32.msk $0xffff, v2  }
0xaa: {  	v2 =	vld [tilespmem:s20+$0x280];
	_ =	sdelay $0x3  }
0xab: {  	s29 =	spop (v2sf)  }
0xac: {  	[tilespmem:s29+$0x4800] =	vst.add.f32.msk $0xffff, v2  }
0xad: {  	v2 =	vld [tilespmem:s20+$0x290];
	_ =	sdelay $0x4  }
0xae: {  	[tilespmem:s29+$0x4810] =	vst.add.f32.msk $0xffff, v2  }
0xaf: {  	v2 =	vld [tilespmem:s20+$0x2A0]  }
0xb0: {  	(v2sf) =	vpush v1, $0xE;
	_ =	sdelay $0x3  }
0xb1: {  	[tilespmem:s29+$0x4820] =	vst.add.f32.msk $0xffff, v2  }
0xb2: {  	v2 =	vld [tilespmem:s20+$0x2B0];
	_ =	sdelay $0x4  }
0xb3: {  	[tilespmem:s29+$0x4830] =	vst.add.f32.msk $0xffff, v2  }
0xb4: {  	v2 =	vld [tilespmem:s20+$0x300];
	_ =	sdelay $0x3  }
0xb5: {  	s30 =	spop (v2sf)  }
0xb6: {  	[tilespmem:s30+$0x4800] =	vst.add.f32.msk $0xffff, v2  }
0xb7: {  	v2 =	vld [tilespmem:s20+$0x310];
	_ =	sdelay $0x4  }
0xb8: {  	[tilespmem:s30+$0x4810] =	vst.add.f32.msk $0xffff, v2  }
0xb9: {  	v2 =	vld [tilespmem:s20+$0x320]  }
0xba: {  	(v2sf) =	vpush v1, $0xF;
	_ =	sdelay $0x3  }
0xbb: {  	[tilespmem:s30+$0x4820] =	vst.add.f32.msk $0xffff, v2  }
0xbc: {  	v1 =	vld [tilespmem:s20+$0x330];
	_ =	sdelay $0x4  }
0xbd: {  	[tilespmem:s30+$0x4830] =	vst.add.f32.msk $0xffff, v1  }
0xbe: {  	v1 =	vld [tilespmem:s20+$0x380];
	_ =	sdelay $0x3  }
0xbf: {  	s31 =	spop (v2sf)  }
0xc0: {  	[tilespmem:s31+$0x4800] =	vst.add.f32.msk $0xffff, v1  }
0xc1: {  	v1 =	vld [tilespmem:s20+$0x390];
	_ =	sdelay $0x4  }
0xc2: {  	[tilespmem:s31+$0x4810] =	vst.add.f32.msk $0xffff, v1  }
0xc3: {  	v1 =	vld [tilespmem:s20+$0x3A0];
	_ =	sdelay $0x4  }
0xc4: {  	[tilespmem:s31+$0x4820] =	vst.add.f32.msk $0xffff, v1  }
0xc5: {  	p0 =	sne.s32 s19, $0x1C0;
	v1 =	vld [tilespmem:s20+$0x3B0]  }
.Ltmp0:
0xc6: {  	_ = 	snop;
	(pc) =	sbr.rel @p0 .LBB2_3-.Ltmp0, $2  }
0xc7: {  	_ =	sdelay $0x2  }
0xc8: {  	s19 =	sadd.s32 $0x40, s19;
	s20 =	sadd.s32 $0x800, s20;
	[tilespmem:s31+$0x4830] =	vst.add.f32.msk $0xffff, v1  }
0xc9: {  	s18 =	sadd.s32 $0x1, s18  }
0xca: {  	p0 =	sne.s32 s18, $0x10  }
.Ltmp1:
0xcb: {  	_ = 	snop;
	(pc) =	sbr.rel @p0 .LBB2_2-.Ltmp1, $2  }
0xcc: {  	_ =	sdelay $0x2  }
0xcd: {  	s17 =	sadd.s32 $0x80, s17  }
0xce: {  	s16 =	sadd.s32 $0x1, s16  }
0xcf: {  	p0 =	sne.s32 s16, s8  }
.Ltmp2:
0xd0: {  	_ = 	snop;
	(pc) =	sbr.rel @p0 .LBB2_1-.Ltmp2, $4  }
0xd1: {  	[hbm4b:s13+s14] =	stream.strided.scatter [tilespmem:s10], [sflag:$0x1], $0x10000, s15, s14, $0x38;
	[tilespmem:$0x14800] =	vst v63  }
0xd2: {  	_ =	swait.ge [sflag:s5], $0x10000  }
0xd3: {  	[sflag:s5] =	ssyncset.done $0x0  }
0xd4: {  	[sflag:s5] =	ssyncadd.s32 $0xFFFF0000  }
0xd5: {  	_ =	sfence.sel $0x180000  }
0xd6: {  	[bflag:$0x0] =	sbarrier.arrive $0xFFFF  }
0xd7: {  	p0 =	sne.s32 s0, $0x0;
	_ =	strace $0x90000047  }
0xd8: {  	s0 =	sadd.s32 @!p0 $0x100000, s2;
	[bflag:$0x2] =	sbarrier.arrive $0xFFFF  }
0xd9: {  	[sflag:s0] =	ssyncadd.tile.s32 @!p0 $0x1;
	_ =	shalt  }
.Lfunc_end2:
_tile_overlayer_lowered:
.L_overlay_start_2:
0xda: {  	(tag) =	ssettag $0x2  }
0xdb: {  	s0 =	rddreg [dreg:$0x0];
	s2 =	stileid.u32  }
0xdc: {  	s1 =	rddreg [dreg:$0x1];
	p0 =	sne.s32 s2, $0x0  }
0xdd: {  	s3 =	rddreg [dreg:$0x2];
	[bflag:$0x3] =	sbarrier.arrive $0xFFFF;
	s2 =	simm.s32 @!p0 $0x1C01  }
0xde: {  	[timem:s3], [sflag:s2] =	dma.local @!p0 [hbm:s0], s1  }
0xdf: {  	s0 =	simm.s32 @!p0 $0x1  }
0xe0: {  	_ =	swait.ge @!p0 [sflag:s0], s1  }
0xe1: {  	s1 =	ssub.s32 @!p0 $0x0, s1;
	[sflag:s0] =	ssyncset.done @!p0 $0x0  }
0xe2: {  	[sflag:s0] =	ssyncadd.s32 @!p0 s1  }
0xe3: {  	[bflag:$0x3] =	sbarrier.arrive $0xFFFF  }
0xe4: {  	_ =	shalt  }

</sc_bundles>
